<compile_context>
chip_gen: v7x
topology: tpu7x:2x2x1
jax: 0.10.2.dev20260603
libtpu: 0.0.44.dev20260713+nightly
codegen_flags: <defaults>
</compile_context>

<pallas_src>
import functools

import jax
import jax.numpy as jnp
from jax import lax
from jax.experimental import pallas as pl
from jax.experimental.pallas import tpu as pltpu
from jax.experimental.pallas import tpu_sc as plsc

VOCAB = 1000000
EMBED_DIM = 32
BATCH = 16384
HIST = 50

B = BATCH * HIST
NW = 32
BPW = B // NW
IPG = 128
G = BPW // IPG
K = 10
CK = K * IPG
NSC = G // K
NPAIR = NSC // 2

_mesh = plsc.VectorSubcoreMesh(core_axis_name="c", subcore_axis_name="s")


@functools.partial(
    pl.kernel,
    mesh=_mesh,
    out_type=jax.ShapeDtypeStruct((B, EMBED_DIM), jnp.float32),
    scratch_types=[
        pltpu.VMEM((G, IPG), jnp.int32),
        pltpu.VMEM((2, CK, EMBED_DIM), jnp.float32),
        pltpu.SemaphoreType.DMA((2,)),
        pltpu.SemaphoreType.DMA((2,)),
    ],
    compiler_params=pltpu.CompilerParams(use_tc_tiling_on_sc=False),
)
def _gather_kernel(table_hbm, idx_hbm, out_hbm, idx_v, rows_v, gsem, wsem):
  wid = lax.axis_index("s") * 2 + lax.axis_index("c")
  base = wid * BPW
  pltpu.sync_copy(idx_hbm.at[wid], idx_v)

  def fire(g, buf):
    copies = []
    for j in range(K):
      copies.append(
          pltpu.async_copy(
              table_hbm.at[idx_v.at[g * K + j]],
              rows_v.at[buf].at[pl.ds(j * IPG, IPG)],
              gsem.at[buf],
          )
      )
    return copies

  fire(0, 0)
  fire(1, 1)

  def pair(h, _):
    g0 = 2 * h
    for buf in range(2):
      g = g0 + buf
      for j in range(K):
        pltpu.make_async_copy(
            table_hbm.at[idx_v.at[0]],
            rows_v.at[buf].at[pl.ds(j * IPG, IPG)],
            gsem.at[buf],
        ).wait()
      pltpu.async_copy(
          rows_v.at[buf],
          out_hbm.at[pl.ds(base + g * CK, CK)],
          wsem.at[buf],
      )
    for buf in range(2):
      g = g0 + buf
      pltpu.make_async_copy(
          rows_v.at[buf],
          out_hbm.at[pl.ds(base, CK)],
          wsem.at[buf],
      ).wait()

      @pl.when(g + 2 < NSC)
      def _():
        fire(g + 2, buf)

    return 0

  lax.fori_loop(0, NPAIR, pair, 0)


def kernel(inputs, embeddings):
  idx = inputs.astype(jnp.int32).reshape(NW, G, IPG)
  out = _gather_kernel(embeddings, idx)
  return out.reshape(BATCH, HIST, EMBED_DIM)

# --- scband reference (transcript-rebuilt; emitter-appended) ---
"""Pipeline reference for scband-ch-chara-embedding-25477746000441 (READ-ONLY COPY).

The authoritative reference and input builder live on the scoring server;
editing this copy changes nothing except your own understanding.
"""

import jax, jax.numpy as jnp
import numpy as np

VOCAB = 1000000
EMBED_DIM = 32
BATCH = 16384
HIST = 50

def setup_inputs(seed: int = 0) -> dict:
    key = jax.random.key(seed)
    k1, k2 = jax.random.split(key)
    inputs = jax.random.randint(k1, (BATCH, HIST), 0, VOCAB, dtype=jnp.int32)
    # Keras 'uniform' embedding initializer: U(-0.05, 0.05)
    embeddings = jax.random.uniform(k2, (VOCAB, EMBED_DIM), dtype=jnp.float32, minval=-0.05, maxval=0.05)
    return {"inputs": inputs, "embeddings": embeddings}

def reference(inputs, embeddings):
    # Faithful to ChCharaEmbedding.call: cast to int32, gather rows.
    idx = inputs.astype(jnp.int32)
    out = jnp.take(embeddings, idx, axis=0)
    return out

if __name__ == "__main__":
    import jax
    _d = setup_inputs()
    print(jax.jit(kernel)(*tuple(_d.values())))

</pallas_src>

<mosaic_0001>
#map = affine_map<(d0, d1) -> (0, 0)>
#map1 = affine_map<(d0, d1) -> (0, 0, 0)>
module attributes {stable_mosaic.version = 14 : i64} {
  func.func @_gather_kernel(%arg0: i32, %arg1: i32, %arg2: memref<1000000x32xf32, #tpu.memory_space<hbm>>, %arg3: memref<32x200x128xi32, #tpu.memory_space<hbm>>, %arg4: memref<819200x32xf32, #tpu.memory_space<hbm>>, %arg5: memref<200x128xi32, #tpu.memory_space<vmem>>, %arg6: memref<2x1280x32xf32, #tpu.memory_space<vmem>>, %arg7: memref<2x!tpu.dma_semaphore, #tpu.memory_space<semaphore_mem>>, %arg8: memref<2x!tpu.dma_semaphore, #tpu.memory_space<semaphore_mem>>) attributes {dimension_semantics = [#tpu.dimension_semantics<core_parallel>, #tpu.dimension_semantics<subcore_parallel>], iteration_bounds = array<i64: 2, 16>, scalar_prefetch = 0 : i64, scratch_operands = 4 : i64, tpu.core_type = #tpu.core_type<sc_vector_subcore>, window_params = [{transform_indices = #map}, {transform_indices = #map1}, {transform_indices = #map}]} {
    %mul3A = arith.constant 2 : i32
    %mul3A_0 = arith.muli %arg1, %mul3A : i32
    %add3A = arith.addi %mul3A_0, %arg0 : i32
    %mul3A_1 = arith.constant 25600 : i32
    %mul3A_2 = arith.muli %add3A, %mul3A_1 : i32
    "tpu.region"() ({
      %run_scoped3A = tpu.sem_alloc : memref<!tpu.dma_semaphore, #tpu.memory_space<semaphore_mem>>
      %dma_start3A_368 = arith.constant 0 : i32
      %dma_start3A_369 = arith.constant 0 : i32
      %dma_start3A_370 = tpu.memref_slice %arg3[%add3A, %dma_start3A_368, %dma_start3A_369] : memref<32x200x128xi32, #tpu.memory_space<hbm>> -> memref<1x200x128xi32, #tpu.memory_space<hbm>>
      %dma_start3A_371 = tpu.memref_squeeze %dma_start3A_370 : memref<1x200x128xi32, #tpu.memory_space<hbm>> -> memref<200x128xi32, #tpu.memory_space<hbm>>
      %dma_start3A_372 = arith.constant 0 : i32
      %dma_start3A_373 = arith.constant 0 : i32
      %dma_start3A_374 = tpu.memref_slice %arg3[%add3A, %dma_start3A_372, %dma_start3A_373] : memref<32x200x128xi32, #tpu.memory_space<hbm>> -> memref<1x200x128xi32, #tpu.memory_space<hbm>>
      %dma_start3A_375 = tpu.memref_squeeze %dma_start3A_374 : memref<1x200x128xi32, #tpu.memory_space<hbm>> -> memref<200x128xi32, #tpu.memory_space<hbm>>
      tpu.enqueue_dma source(%dma_start3A_375 : memref<200x128xi32, #tpu.memory_space<hbm>>) target(%arg5 : memref<200x128xi32, #tpu.memory_space<vmem>>) target_semaphore(%run_scoped3A : memref<!tpu.dma_semaphore, #tpu.memory_space<semaphore_mem>>)
      %dma_wait3A = arith.constant 0 : i32
      %dma_wait3A_376 = arith.constant 0 : i32
      %dma_wait3A_377 = tpu.memref_slice %arg3[%add3A, %dma_wait3A, %dma_wait3A_376] : memref<32x200x128xi32, #tpu.memory_space<hbm>> -> memref<1x200x128xi32, #tpu.memory_space<hbm>>
      %dma_wait3A_378 = tpu.memref_squeeze %dma_wait3A_377 : memref<1x200x128xi32, #tpu.memory_space<hbm>> -> memref<200x128xi32, #tpu.memory_space<hbm>>
      %dma_wait3A_379 = arith.constant 0 : i32
      %dma_wait3A_380 = arith.constant 0 : i32
      %dma_wait3A_381 = tpu.memref_slice %arg3[%add3A, %dma_wait3A_379, %dma_wait3A_380] : memref<32x200x128xi32, #tpu.memory_space<hbm>> -> memref<1x200x128xi32, #tpu.memory_space<hbm>>
      %dma_wait3A_382 = tpu.memref_squeeze %dma_wait3A_381 : memref<1x200x128xi32, #tpu.memory_space<hbm>> -> memref<200x128xi32, #tpu.memory_space<hbm>>
      tpu.wait_dma2 semaphore(%run_scoped3A : memref<!tpu.dma_semaphore, #tpu.memory_space<semaphore_mem>>) src(%dma_wait3A_382 : memref<200x128xi32, #tpu.memory_space<hbm>>) dst(%arg5 : memref<200x128xi32, #tpu.memory_space<vmem>>)
      tpu.yield
    }) : () -> ()
    %dma_start3A = arith.constant 0 : i32
    %dma_start3A_3 = arith.constant 0 : i32
    %dma_start3A_4 = arith.constant 0 : i32
    %dma_start3A_5 = arith.constant 0 : i32
    %dma_start3A_6 = arith.constant 0 : i32
    %dma_start3A_7 = tpu.memref_slice %arg6[%dma_start3A_3, %dma_start3A_5, %dma_start3A_6] : memref<2x1280x32xf32, #tpu.memory_space<vmem>> -> memref<1x1280x32xf32, #tpu.memory_space<vmem>>
    %dma_start3A_8 = tpu.memref_squeeze %dma_start3A_7 : memref<1x1280x32xf32, #tpu.memory_space<vmem>> -> memref<1280x32xf32, #tpu.memory_space<vmem>>
    %dma_start3A_9 = arith.constant 0 : i32
    %dma_start3A_10 = arith.constant 0 : i32
    %dma_start3A_11 = tpu.memref_slice %dma_start3A_8[%dma_start3A_9, %dma_start3A_10] : memref<1280x32xf32, #tpu.memory_space<vmem>> -> memref<128x32xf32, #tpu.memory_space<vmem>>
    %dma_start3A_12 = arith.constant 0 : i32
    %dma_start3A_13 = tpu.memref_slice %arg5[%dma_start3A, %dma_start3A_12] : memref<200x128xi32, #tpu.memory_space<vmem>> -> memref<1x128xi32, #tpu.memory_space<vmem>>
    %dma_start3A_14 = tpu.memref_squeeze %dma_start3A_13 : memref<1x128xi32, #tpu.memory_space<vmem>> -> memref<128xi32, #tpu.memory_space<vmem>>
    %dma_start3A_15 = arith.constant 0 : i32
    %dma_start3A_16 = arith.constant 0 : i32
    %dma_start3A_17 = tpu.memref_slice %arg2[%dma_start3A_15, %dma_start3A_16] : memref<1000000x32xf32, #tpu.memory_space<hbm>> -> memref<1000000x32xf32, #tpu.memory_space<hbm>>
    %dma_start3A_18 = tpu.memref_slice %arg7[%dma_start3A_4] : memref<2x!tpu.dma_semaphore, #tpu.memory_space<semaphore_mem>> -> memref<1x!tpu.dma_semaphore, #tpu.memory_space<semaphore_mem>>
    %dma_start3A_19 = tpu.memref_squeeze %dma_start3A_18 : memref<1x!tpu.dma_semaphore, #tpu.memory_space<semaphore_mem>> -> memref<!tpu.dma_semaphore, #tpu.memory_space<semaphore_mem>>
    tpu.enqueue_indirect_dma source(%dma_start3A_17 : memref<1000000x32xf32, #tpu.memory_space<hbm>>) target(%dma_start3A_11 : memref<128x32xf32, #tpu.memory_space<vmem>>) offsets(%dma_start3A_14 : memref<128xi32, #tpu.memory_space<vmem>>) semaphore(%dma_start3A_19 : memref<!tpu.dma_semaphore, #tpu.memory_space<semaphore_mem>>)
    %dma_start3A_20 = arith.constant 1 : i32
    %dma_start3A_21 = arith.constant 0 : i32
    %dma_start3A_22 = arith.constant 0 : i32
    %dma_start3A_23 = arith.constant 0 : i32
    %dma_start3A_24 = arith.constant 0 : i32
    %dma_start3A_25 = tpu.memref_slice %arg6[%dma_start3A_21, %dma_start3A_23, %dma_start3A_24] : memref<2x1280x32xf32, #tpu.memory_space<vmem>> -> memref<1x1280x32xf32, #tpu.memory_space<vmem>>
    %dma_start3A_26 = tpu.memref_squeeze %dma_start3A_25 : memref<1x1280x32xf32, #tpu.memory_space<vmem>> -> memref<1280x32xf32, #tpu.memory_space<vmem>>
    %dma_start3A_27 = arith.constant 128 : i32
    %dma_start3A_28 = arith.constant 0 : i32
    %dma_start3A_29 = tpu.memref_slice %dma_start3A_26[%dma_start3A_27, %dma_start3A_28] : memref<1280x32xf32, #tpu.memory_space<vmem>> -> memref<128x32xf32, #tpu.memory_space<vmem>>
    %dma_start3A_30 = arith.constant 0 : i32
    %dma_start3A_31 = tpu.memref_slice %arg5[%dma_start3A_20, %dma_start3A_30] : memref<200x128xi32, #tpu.memory_space<vmem>> -> memref<1x128xi32, #tpu.memory_space<vmem>>
    %dma_start3A_32 = tpu.memref_squeeze %dma_start3A_31 : memref<1x128xi32, #tpu.memory_space<vmem>> -> memref<128xi32, #tpu.memory_space<vmem>>
    %dma_start3A_33 = arith.constant 0 : i32
    %dma_start3A_34 = arith.constant 0 : i32
    %dma_start3A_35 = tpu.memref_slice %arg2[%dma_start3A_33, %dma_start3A_34] : memref<1000000x32xf32, #tpu.memory_space<hbm>> -> memref<1000000x32xf32, #tpu.memory_space<hbm>>
    %dma_start3A_36 = tpu.memref_slice %arg7[%dma_start3A_22] : memref<2x!tpu.dma_semaphore, #tpu.memory_space<semaphore_mem>> -> memref<1x!tpu.dma_semaphore, #tpu.memory_space<semaphore_mem>>
    %dma_start3A_37 = tpu.memref_squeeze %dma_start3A_36 : memref<1x!tpu.dma_semaphore, #tpu.memory_space<semaphore_mem>> -> memref<!tpu.dma_semaphore, #tpu.memory_space<semaphore_mem>>
    tpu.enqueue_indirect_dma source(%dma_start3A_35 : memref<1000000x32xf32, #tpu.memory_space<hbm>>) target(%dma_start3A_29 : memref<128x32xf32, #tpu.memory_space<vmem>>) offsets(%dma_start3A_32 : memref<128xi32, #tpu.memory_space<vmem>>) semaphore(%dma_start3A_37 : memref<!tpu.dma_semaphore, #tpu.memory_space<semaphore_mem>>)
    %dma_start3A_38 = arith.constant 2 : i32
    %dma_start3A_39 = arith.constant 0 : i32
    %dma_start3A_40 = arith.constant 0 : i32
    %dma_start3A_41 = arith.constant 0 : i32
    %dma_start3A_42 = arith.constant 0 : i32
    %dma_start3A_43 = tpu.memref_slice %arg6[%dma_start3A_39, %dma_start3A_41, %dma_start3A_42] : memref<2x1280x32xf32, #tpu.memory_space<vmem>> -> memref<1x1280x32xf32, #tpu.memory_space<vmem>>
    %dma_start3A_44 = tpu.memref_squeeze %dma_start3A_43 : memref<1x1280x32xf32, #tpu.memory_space<vmem>> -> memref<1280x32xf32, #tpu.memory_space<vmem>>
    %dma_start3A_45 = arith.constant 256 : i32
    %dma_start3A_46 = arith.constant 0 : i32
    %dma_start3A_47 = tpu.memref_slice %dma_start3A_44[%dma_start3A_45, %dma_start3A_46] : memref<1280x32xf32, #tpu.memory_space<vmem>> -> memref<128x32xf32, #tpu.memory_space<vmem>>
    %dma_start3A_48 = arith.constant 0 : i32
    %dma_start3A_49 = tpu.memref_slice %arg5[%dma_start3A_38, %dma_start3A_48] : memref<200x128xi32, #tpu.memory_space<vmem>> -> memref<1x128xi32, #tpu.memory_space<vmem>>
    %dma_start3A_50 = tpu.memref_squeeze %dma_start3A_49 : memref<1x128xi32, #tpu.memory_space<vmem>> -> memref<128xi32, #tpu.memory_space<vmem>>
    %dma_start3A_51 = arith.constant 0 : i32
    %dma_start3A_52 = arith.constant 0 : i32
    %dma_start3A_53 = tpu.memref_slice %arg2[%dma_start3A_51, %dma_start3A_52] : memref<1000000x32xf32, #tpu.memory_space<hbm>> -> memref<1000000x32xf32, #tpu.memory_space<hbm>>
    %dma_start3A_54 = tpu.memref_slice %arg7[%dma_start3A_40] : memref<2x!tpu.dma_semaphore, #tpu.memory_space<semaphore_mem>> -> memref<1x!tpu.dma_semaphore, #tpu.memory_space<semaphore_mem>>
    %dma_start3A_55 = tpu.memref_squeeze %dma_start3A_54 : memref<1x!tpu.dma_semaphore, #tpu.memory_space<semaphore_mem>> -> memref<!tpu.dma_semaphore, #tpu.memory_space<semaphore_mem>>
    tpu.enqueue_indirect_dma source(%dma_start3A_53 : memref<1000000x32xf32, #tpu.memory_space<hbm>>) target(%dma_start3A_47 : memref<128x32xf32, #tpu.memory_space<vmem>>) offsets(%dma_start3A_50 : memref<128xi32, #tpu.memory_space<vmem>>) semaphore(%dma_start3A_55 : memref<!tpu.dma_semaphore, #tpu.memory_space<semaphore_mem>>)
    %dma_start3A_56 = arith.constant 3 : i32
    %dma_start3A_57 = arith.constant 0 : i32
    %dma_start3A_58 = arith.constant 0 : i32
    %dma_start3A_59 = arith.constant 0 : i32
    %dma_start3A_60 = arith.constant 0 : i32
    %dma_start3A_61 = tpu.memref_slice %arg6[%dma_start3A_57, %dma_start3A_59, %dma_start3A_60] : memref<2x1280x32xf32, #tpu.memory_space<vmem>> -> memref<1x1280x32xf32, #tpu.memory_space<vmem>>
    %dma_start3A_62 = tpu.memref_squeeze %dma_start3A_61 : memref<1x1280x32xf32, #tpu.memory_space<vmem>> -> memref<1280x32xf32, #tpu.memory_space<vmem>>
    %dma_start3A_63 = arith.constant 384 : i32
    %dma_start3A_64 = arith.constant 0 : i32
    %dma_start3A_65 = tpu.memref_slice %dma_start3A_62[%dma_start3A_63, %dma_start3A_64] : memref<1280x32xf32, #tpu.memory_space<vmem>> -> memref<128x32xf32, #tpu.memory_space<vmem>>
    %dma_start3A_66 = arith.constant 0 : i32
    %dma_start3A_67 = tpu.memref_slice %arg5[%dma_start3A_56, %dma_start3A_66] : memref<200x128xi32, #tpu.memory_space<vmem>> -> memref<1x128xi32, #tpu.memory_space<vmem>>
    %dma_start3A_68 = tpu.memref_squeeze %dma_start3A_67 : memref<1x128xi32, #tpu.memory_space<vmem>> -> memref<128xi32, #tpu.memory_space<vmem>>
    %dma_start3A_69 = arith.constant 0 : i32
    %dma_start3A_70 = arith.constant 0 : i32
    %dma_start3A_71 = tpu.memref_slice %arg2[%dma_start3A_69, %dma_start3A_70] : memref<1000000x32xf32, #tpu.memory_space<hbm>> -> memref<1000000x32xf32, #tpu.memory_space<hbm>>
    %dma_start3A_72 = tpu.memref_slice %arg7[%dma_start3A_58] : memref<2x!tpu.dma_semaphore, #tpu.memory_space<semaphore_mem>> -> memref<1x!tpu.dma_semaphore, #tpu.memory_space<semaphore_mem>>
    %dma_start3A_73 = tpu.memref_squeeze %dma_start3A_72 : memref<1x!tpu.dma_semaphore, #tpu.memory_space<semaphore_mem>> -> memref<!tpu.dma_semaphore, #tpu.memory_space<semaphore_mem>>
    tpu.enqueue_indirect_dma source(%dma_start3A_71 : memref<1000000x32xf32, #tpu.memory_space<hbm>>) target(%dma_start3A_65 : memref<128x32xf32, #tpu.memory_space<vmem>>) offsets(%dma_start3A_68 : memref<128xi32, #tpu.memory_space<vmem>>) semaphore(%dma_start3A_73 : memref<!tpu.dma_semaphore, #tpu.memory_space<semaphore_mem>>)
    %dma_start3A_74 = arith.constant 4 : i32
    %dma_start3A_75 = arith.constant 0 : i32
    %dma_start3A_76 = arith.constant 0 : i32
    %dma_start3A_77 = arith.constant 0 : i32
    %dma_start3A_78 = arith.constant 0 : i32
    %dma_start3A_79 = tpu.memref_slice %arg6[%dma_start3A_75, %dma_start3A_77, %dma_start3A_78] : memref<2x1280x32xf32, #tpu.memory_space<vmem>> -> memref<1x1280x32xf32, #tpu.memory_space<vmem>>
    %dma_start3A_80 = tpu.memref_squeeze %dma_start3A_79 : memref<1x1280x32xf32, #tpu.memory_space<vmem>> -> memref<1280x32xf32, #tpu.memory_space<vmem>>
    %dma_start3A_81 = arith.constant 512 : i32
    %dma_start3A_82 = arith.constant 0 : i32
    %dma_start3A_83 = tpu.memref_slice %dma_start3A_80[%dma_start3A_81, %dma_start3A_82] : memref<1280x32xf32, #tpu.memory_space<vmem>> -> memref<128x32xf32, #tpu.memory_space<vmem>>
    %dma_start3A_84 = arith.constant 0 : i32
    %dma_start3A_85 = tpu.memref_slice %arg5[%dma_start3A_74, %dma_start3A_84] : memref<200x128xi32, #tpu.memory_space<vmem>> -> memref<1x128xi32, #tpu.memory_space<vmem>>
    %dma_start3A_86 = tpu.memref_squeeze %dma_start3A_85 : memref<1x128xi32, #tpu.memory_space<vmem>> -> memref<128xi32, #tpu.memory_space<vmem>>
    %dma_start3A_87 = arith.constant 0 : i32
    %dma_start3A_88 = arith.constant 0 : i32
    %dma_start3A_89 = tpu.memref_slice %arg2[%dma_start3A_87, %dma_start3A_88] : memref<1000000x32xf32, #tpu.memory_space<hbm>> -> memref<1000000x32xf32, #tpu.memory_space<hbm>>
    %dma_start3A_90 = tpu.memref_slice %arg7[%dma_start3A_76] : memref<2x!tpu.dma_semaphore, #tpu.memory_space<semaphore_mem>> -> memref<1x!tpu.dma_semaphore, #tpu.memory_space<semaphore_mem>>
    %dma_start3A_91 = tpu.memref_squeeze %dma_start3A_90 : memref<1x!tpu.dma_semaphore, #tpu.memory_space<semaphore_mem>> -> memref<!tpu.dma_semaphore, #tpu.memory_space<semaphore_mem>>
    tpu.enqueue_indirect_dma source(%dma_start3A_89 : memref<1000000x32xf32, #tpu.memory_space<hbm>>) target(%dma_start3A_83 : memref<128x32xf32, #tpu.memory_space<vmem>>) offsets(%dma_start3A_86 : memref<128xi32, #tpu.memory_space<vmem>>) semaphore(%dma_start3A_91 : memref<!tpu.dma_semaphore, #tpu.memory_space<semaphore_mem>>)
    %dma_start3A_92 = arith.constant 5 : i32
    %dma_start3A_93 = arith.constant 0 : i32
    %dma_start3A_94 = arith.constant 0 : i32
    %dma_start3A_95 = arith.constant 0 : i32
    %dma_start3A_96 = arith.constant 0 : i32
    %dma_start3A_97 = tpu.memref_slice %arg6[%dma_start3A_93, %dma_start3A_95, %dma_start3A_96] : memref<2x1280x32xf32, #tpu.memory_space<vmem>> -> memref<1x1280x32xf32, #tpu.memory_space<vmem>>
    %dma_start3A_98 = tpu.memref_squeeze %dma_start3A_97 : memref<1x1280x32xf32, #tpu.memory_space<vmem>> -> memref<1280x32xf32, #tpu.memory_space<vmem>>
    %dma_start3A_99 = arith.constant 640 : i32
    %dma_start3A_100 = arith.constant 0 : i32
    %dma_start3A_101 = tpu.memref_slice %dma_start3A_98[%dma_start3A_99, %dma_start3A_100] : memref<1280x32xf32, #tpu.memory_space<vmem>> -> memref<128x32xf32, #tpu.memory_space<vmem>>
    %dma_start3A_102 = arith.constant 0 : i32
    %dma_start3A_103 = tpu.memref_slice %arg5[%dma_start3A_92, %dma_start3A_102] : memref<200x128xi32, #tpu.memory_space<vmem>> -> memref<1x128xi32, #tpu.memory_space<vmem>>
    %dma_start3A_104 = tpu.memref_squeeze %dma_start3A_103 : memref<1x128xi32, #tpu.memory_space<vmem>> -> memref<128xi32, #tpu.memory_space<vmem>>
    %dma_start3A_105 = arith.constant 0 : i32
    %dma_start3A_106 = arith.constant 0 : i32
    %dma_start3A_107 = tpu.memref_slice %arg2[%dma_start3A_105, %dma_start3A_106] : memref<1000000x32xf32, #tpu.memory_space<hbm>> -> memref<1000000x32xf32, #tpu.memory_space<hbm>>
    %dma_start3A_108 = tpu.memref_slice %arg7[%dma_start3A_94] : memref<2x!tpu.dma_semaphore, #tpu.memory_space<semaphore_mem>> -> memref<1x!tpu.dma_semaphore, #tpu.memory_space<semaphore_mem>>
    %dma_start3A_109 = tpu.memref_squeeze %dma_start3A_108 : memref<1x!tpu.dma_semaphore, #tpu.memory_space<semaphore_mem>> -> memref<!tpu.dma_semaphore, #tpu.memory_space<semaphore_mem>>
    tpu.enqueue_indirect_dma source(%dma_start3A_107 : memref<1000000x32xf32, #tpu.memory_space<hbm>>) target(%dma_start3A_101 : memref<128x32xf32, #tpu.memory_space<vmem>>) offsets(%dma_start3A_104 : memref<128xi32, #tpu.memory_space<vmem>>) semaphore(%dma_start3A_109 : memref<!tpu.dma_semaphore, #tpu.memory_space<semaphore_mem>>)
    %dma_start3A_110 = arith.constant 6 : i32
    %dma_start3A_111 = arith.constant 0 : i32
    %dma_start3A_112 = arith.constant 0 : i32
    %dma_start3A_113 = arith.constant 0 : i32
    %dma_start3A_114 = arith.constant 0 : i32
    %dma_start3A_115 = tpu.memref_slice %arg6[%dma_start3A_111, %dma_start3A_113, %dma_start3A_114] : memref<2x1280x32xf32, #tpu.memory_space<vmem>> -> memref<1x1280x32xf32, #tpu.memory_space<vmem>>
    %dma_start3A_116 = tpu.memref_squeeze %dma_start3A_115 : memref<1x1280x32xf32, #tpu.memory_space<vmem>> -> memref<1280x32xf32, #tpu.memory_space<vmem>>
    %dma_start3A_117 = arith.constant 768 : i32
    %dma_start3A_118 = arith.constant 0 : i32
    %dma_start3A_119 = tpu.memref_slice %dma_start3A_116[%dma_start3A_117, %dma_start3A_118] : memref<1280x32xf32, #tpu.memory_space<vmem>> -> memref<128x32xf32, #tpu.memory_space<vmem>>
    %dma_start3A_120 = arith.constant 0 : i32
    %dma_start3A_121 = tpu.memref_slice %arg5[%dma_start3A_110, %dma_start3A_120] : memref<200x128xi32, #tpu.memory_space<vmem>> -> memref<1x128xi32, #tpu.memory_space<vmem>>
    %dma_start3A_122 = tpu.memref_squeeze %dma_start3A_121 : memref<1x128xi32, #tpu.memory_space<vmem>> -> memref<128xi32, #tpu.memory_space<vmem>>
    %dma_start3A_123 = arith.constant 0 : i32
    %dma_start3A_124 = arith.constant 0 : i32
    %dma_start3A_125 = tpu.memref_slice %arg2[%dma_start3A_123, %dma_start3A_124] : memref<1000000x32xf32, #tpu.memory_space<hbm>> -> memref<1000000x32xf32, #tpu.memory_space<hbm>>
    %dma_start3A_126 = tpu.memref_slice %arg7[%dma_start3A_112] : memref<2x!tpu.dma_semaphore, #tpu.memory_space<semaphore_mem>> -> memref<1x!tpu.dma_semaphore, #tpu.memory_space<semaphore_mem>>
    %dma_start3A_127 = tpu.memref_squeeze %dma_start3A_126 : memref<1x!tpu.dma_semaphore, #tpu.memory_space<semaphore_mem>> -> memref<!tpu.dma_semaphore, #tpu.memory_space<semaphore_mem>>
    tpu.enqueue_indirect_dma source(%dma_start3A_125 : memref<1000000x32xf32, #tpu.memory_space<hbm>>) target(%dma_start3A_119 : memref<128x32xf32, #tpu.memory_space<vmem>>) offsets(%dma_start3A_122 : memref<128xi32, #tpu.memory_space<vmem>>) semaphore(%dma_start3A_127 : memref<!tpu.dma_semaphore, #tpu.memory_space<semaphore_mem>>)
    %dma_start3A_128 = arith.constant 7 : i32
    %dma_start3A_129 = arith.constant 0 : i32
    %dma_start3A_130 = arith.constant 0 : i32
    %dma_start3A_131 = arith.constant 0 : i32
    %dma_start3A_132 = arith.constant 0 : i32
    %dma_start3A_133 = tpu.memref_slice %arg6[%dma_start3A_129, %dma_start3A_131, %dma_start3A_132] : memref<2x1280x32xf32, #tpu.memory_space<vmem>> -> memref<1x1280x32xf32, #tpu.memory_space<vmem>>
    %dma_start3A_134 = tpu.memref_squeeze %dma_start3A_133 : memref<1x1280x32xf32, #tpu.memory_space<vmem>> -> memref<1280x32xf32, #tpu.memory_space<vmem>>
    %dma_start3A_135 = arith.constant 896 : i32
    %dma_start3A_136 = arith.constant 0 : i32
    %dma_start3A_137 = tpu.memref_slice %dma_start3A_134[%dma_start3A_135, %dma_start3A_136] : memref<1280x32xf32, #tpu.memory_space<vmem>> -> memref<128x32xf32, #tpu.memory_space<vmem>>
    %dma_start3A_138 = arith.constant 0 : i32
    %dma_start3A_139 = tpu.memref_slice %arg5[%dma_start3A_128, %dma_start3A_138] : memref<200x128xi32, #tpu.memory_space<vmem>> -> memref<1x128xi32, #tpu.memory_space<vmem>>
    %dma_start3A_140 = tpu.memref_squeeze %dma_start3A_139 : memref<1x128xi32, #tpu.memory_space<vmem>> -> memref<128xi32, #tpu.memory_space<vmem>>
    %dma_start3A_141 = arith.constant 0 : i32
    %dma_start3A_142 = arith.constant 0 : i32
    %dma_start3A_143 = tpu.memref_slice %arg2[%dma_start3A_141, %dma_start3A_142] : memref<1000000x32xf32, #tpu.memory_space<hbm>> -> memref<1000000x32xf32, #tpu.memory_space<hbm>>
    %dma_start3A_144 = tpu.memref_slice %arg7[%dma_start3A_130] : memref<2x!tpu.dma_semaphore, #tpu.memory_space<semaphore_mem>> -> memref<1x!tpu.dma_semaphore, #tpu.memory_space<semaphore_mem>>
    %dma_start3A_145 = tpu.memref_squeeze %dma_start3A_144 : memref<1x!tpu.dma_semaphore, #tpu.memory_space<semaphore_mem>> -> memref<!tpu.dma_semaphore, #tpu.memory_space<semaphore_mem>>
    tpu.enqueue_indirect_dma source(%dma_start3A_143 : memref<1000000x32xf32, #tpu.memory_space<hbm>>) target(%dma_start3A_137 : memref<128x32xf32, #tpu.memory_space<vmem>>) offsets(%dma_start3A_140 : memref<128xi32, #tpu.memory_space<vmem>>) semaphore(%dma_start3A_145 : memref<!tpu.dma_semaphore, #tpu.memory_space<semaphore_mem>>)
    %dma_start3A_146 = arith.constant 8 : i32
    %dma_start3A_147 = arith.constant 0 : i32
    %dma_start3A_148 = arith.constant 0 : i32
    %dma_start3A_149 = arith.constant 0 : i32
    %dma_start3A_150 = arith.constant 0 : i32
    %dma_start3A_151 = tpu.memref_slice %arg6[%dma_start3A_147, %dma_start3A_149, %dma_start3A_150] : memref<2x1280x32xf32, #tpu.memory_space<vmem>> -> memref<1x1280x32xf32, #tpu.memory_space<vmem>>
    %dma_start3A_152 = tpu.memref_squeeze %dma_start3A_151 : memref<1x1280x32xf32, #tpu.memory_space<vmem>> -> memref<1280x32xf32, #tpu.memory_space<vmem>>
    %dma_start3A_153 = arith.constant 1024 : i32
    %dma_start3A_154 = arith.constant 0 : i32
    %dma_start3A_155 = tpu.memref_slice %dma_start3A_152[%dma_start3A_153, %dma_start3A_154] : memref<1280x32xf32, #tpu.memory_space<vmem>> -> memref<128x32xf32, #tpu.memory_space<vmem>>
    %dma_start3A_156 = arith.constant 0 : i32
    %dma_start3A_157 = tpu.memref_slice %arg5[%dma_start3A_146, %dma_start3A_156] : memref<200x128xi32, #tpu.memory_space<vmem>> -> memref<1x128xi32, #tpu.memory_space<vmem>>
    %dma_start3A_158 = tpu.memref_squeeze %dma_start3A_157 : memref<1x128xi32, #tpu.memory_space<vmem>> -> memref<128xi32, #tpu.memory_space<vmem>>
    %dma_start3A_159 = arith.constant 0 : i32
    %dma_start3A_160 = arith.constant 0 : i32
    %dma_start3A_161 = tpu.memref_slice %arg2[%dma_start3A_159, %dma_start3A_160] : memref<1000000x32xf32, #tpu.memory_space<hbm>> -> memref<1000000x32xf32, #tpu.memory_space<hbm>>
    %dma_start3A_162 = tpu.memref_slice %arg7[%dma_start3A_148] : memref<2x!tpu.dma_semaphore, #tpu.memory_space<semaphore_mem>> -> memref<1x!tpu.dma_semaphore, #tpu.memory_space<semaphore_mem>>
    %dma_start3A_163 = tpu.memref_squeeze %dma_start3A_162 : memref<1x!tpu.dma_semaphore, #tpu.memory_space<semaphore_mem>> -> memref<!tpu.dma_semaphore, #tpu.memory_space<semaphore_mem>>
    tpu.enqueue_indirect_dma source(%dma_start3A_161 : memref<1000000x32xf32, #tpu.memory_space<hbm>>) target(%dma_start3A_155 : memref<128x32xf32, #tpu.memory_space<vmem>>) offsets(%dma_start3A_158 : memref<128xi32, #tpu.memory_space<vmem>>) semaphore(%dma_start3A_163 : memref<!tpu.dma_semaphore, #tpu.memory_space<semaphore_mem>>)
    %dma_start3A_164 = arith.constant 9 : i32
    %dma_start3A_165 = arith.constant 0 : i32
    %dma_start3A_166 = arith.constant 0 : i32
    %dma_start3A_167 = arith.constant 0 : i32
    %dma_start3A_168 = arith.constant 0 : i32
    %dma_start3A_169 = tpu.memref_slice %arg6[%dma_start3A_165, %dma_start3A_167, %dma_start3A_168] : memref<2x1280x32xf32, #tpu.memory_space<vmem>> -> memref<1x1280x32xf32, #tpu.memory_space<vmem>>
    %dma_start3A_170 = tpu.memref_squeeze %dma_start3A_169 : memref<1x1280x32xf32, #tpu.memory_space<vmem>> -> memref<1280x32xf32, #tpu.memory_space<vmem>>
    %dma_start3A_171 = arith.constant 1152 : i32
    %dma_start3A_172 = arith.constant 0 : i32
    %dma_start3A_173 = tpu.memref_slice %dma_start3A_170[%dma_start3A_171, %dma_start3A_172] : memref<1280x32xf32, #tpu.memory_space<vmem>> -> memref<128x32xf32, #tpu.memory_space<vmem>>
    %dma_start3A_174 = arith.constant 0 : i32
    %dma_start3A_175 = tpu.memref_slice %arg5[%dma_start3A_164, %dma_start3A_174] : memref<200x128xi32, #tpu.memory_space<vmem>> -> memref<1x128xi32, #tpu.memory_space<vmem>>
    %dma_start3A_176 = tpu.memref_squeeze %dma_start3A_175 : memref<1x128xi32, #tpu.memory_space<vmem>> -> memref<128xi32, #tpu.memory_space<vmem>>
    %dma_start3A_177 = arith.constant 0 : i32
    %dma_start3A_178 = arith.constant 0 : i32
    %dma_start3A_179 = tpu.memref_slice %arg2[%dma_start3A_177, %dma_start3A_178] : memref<1000000x32xf32, #tpu.memory_space<hbm>> -> memref<1000000x32xf32, #tpu.memory_space<hbm>>
    %dma_start3A_180 = tpu.memref_slice %arg7[%dma_start3A_166] : memref<2x!tpu.dma_semaphore, #tpu.memory_space<semaphore_mem>> -> memref<1x!tpu.dma_semaphore, #tpu.memory_space<semaphore_mem>>
    %dma_start3A_181 = tpu.memref_squeeze %dma_start3A_180 : memref<1x!tpu.dma_semaphore, #tpu.memory_space<semaphore_mem>> -> memref<!tpu.dma_semaphore, #tpu.memory_space<semaphore_mem>>
    tpu.enqueue_indirect_dma source(%dma_start3A_179 : memref<1000000x32xf32, #tpu.memory_space<hbm>>) target(%dma_start3A_173 : memref<128x32xf32, #tpu.memory_space<vmem>>) offsets(%dma_start3A_176 : memref<128xi32, #tpu.memory_space<vmem>>) semaphore(%dma_start3A_181 : memref<!tpu.dma_semaphore, #tpu.memory_space<semaphore_mem>>)
    %dma_start3A_182 = arith.constant 10 : i32
    %dma_start3A_183 = arith.constant 1 : i32
    %dma_start3A_184 = arith.constant 1 : i32
    %dma_start3A_185 = arith.constant 0 : i32
    %dma_start3A_186 = arith.constant 0 : i32
    %dma_start3A_187 = tpu.memref_slice %arg6[%dma_start3A_183, %dma_start3A_185, %dma_start3A_186] : memref<2x1280x32xf32, #tpu.memory_space<vmem>> -> memref<1x1280x32xf32, #tpu.memory_space<vmem>>
    %dma_start3A_188 = tpu.memref_squeeze %dma_start3A_187 : memref<1x1280x32xf32, #tpu.memory_space<vmem>> -> memref<1280x32xf32, #tpu.memory_space<vmem>>
    %dma_start3A_189 = arith.constant 0 : i32
    %dma_start3A_190 = arith.constant 0 : i32
    %dma_start3A_191 = tpu.memref_slice %dma_start3A_188[%dma_start3A_189, %dma_start3A_190] : memref<1280x32xf32, #tpu.memory_space<vmem>> -> memref<128x32xf32, #tpu.memory_space<vmem>>
    %dma_start3A_192 = arith.constant 0 : i32
    %dma_start3A_193 = tpu.memref_slice %arg5[%dma_start3A_182, %dma_start3A_192] : memref<200x128xi32, #tpu.memory_space<vmem>> -> memref<1x128xi32, #tpu.memory_space<vmem>>
    %dma_start3A_194 = tpu.memref_squeeze %dma_start3A_193 : memref<1x128xi32, #tpu.memory_space<vmem>> -> memref<128xi32, #tpu.memory_space<vmem>>
    %dma_start3A_195 = arith.constant 0 : i32
    %dma_start3A_196 = arith.constant 0 : i32
    %dma_start3A_197 = tpu.memref_slice %arg2[%dma_start3A_195, %dma_start3A_196] : memref<1000000x32xf32, #tpu.memory_space<hbm>> -> memref<1000000x32xf32, #tpu.memory_space<hbm>>
    %dma_start3A_198 = tpu.memref_slice %arg7[%dma_start3A_184] : memref<2x!tpu.dma_semaphore, #tpu.memory_space<semaphore_mem>> -> memref<1x!tpu.dma_semaphore, #tpu.memory_space<semaphore_mem>>
    %dma_start3A_199 = tpu.memref_squeeze %dma_start3A_198 : memref<1x!tpu.dma_semaphore, #tpu.memory_space<semaphore_mem>> -> memref<!tpu.dma_semaphore, #tpu.memory_space<semaphore_mem>>
    tpu.enqueue_indirect_dma source(%dma_start3A_197 : memref<1000000x32xf32, #tpu.memory_space<hbm>>) target(%dma_start3A_191 : memref<128x32xf32, #tpu.memory_space<vmem>>) offsets(%dma_start3A_194 : memref<128xi32, #tpu.memory_space<vmem>>) semaphore(%dma_start3A_199 : memref<!tpu.dma_semaphore, #tpu.memory_space<semaphore_mem>>)
    %dma_start3A_200 = arith.constant 11 : i32
    %dma_start3A_201 = arith.constant 1 : i32
    %dma_start3A_202 = arith.constant 1 : i32
    %dma_start3A_203 = arith.constant 0 : i32
    %dma_start3A_204 = arith.constant 0 : i32
    %dma_start3A_205 = tpu.memref_slice %arg6[%dma_start3A_201, %dma_start3A_203, %dma_start3A_204] : memref<2x1280x32xf32, #tpu.memory_space<vmem>> -> memref<1x1280x32xf32, #tpu.memory_space<vmem>>
    %dma_start3A_206 = tpu.memref_squeeze %dma_start3A_205 : memref<1x1280x32xf32, #tpu.memory_space<vmem>> -> memref<1280x32xf32, #tpu.memory_space<vmem>>
    %dma_start3A_207 = arith.constant 128 : i32
    %dma_start3A_208 = arith.constant 0 : i32
    %dma_start3A_209 = tpu.memref_slice %dma_start3A_206[%dma_start3A_207, %dma_start3A_208] : memref<1280x32xf32, #tpu.memory_space<vmem>> -> memref<128x32xf32, #tpu.memory_space<vmem>>
    %dma_start3A_210 = arith.constant 0 : i32
    %dma_start3A_211 = tpu.memref_slice %arg5[%dma_start3A_200, %dma_start3A_210] : memref<200x128xi32, #tpu.memory_space<vmem>> -> memref<1x128xi32, #tpu.memory_space<vmem>>
    %dma_start3A_212 = tpu.memref_squeeze %dma_start3A_211 : memref<1x128xi32, #tpu.memory_space<vmem>> -> memref<128xi32, #tpu.memory_space<vmem>>
    %dma_start3A_213 = arith.constant 0 : i32
    %dma_start3A_214 = arith.constant 0 : i32
    %dma_start3A_215 = tpu.memref_slice %arg2[%dma_start3A_213, %dma_start3A_214] : memref<1000000x32xf32, #tpu.memory_space<hbm>> -> memref<1000000x32xf32, #tpu.memory_space<hbm>>
    %dma_start3A_216 = tpu.memref_slice %arg7[%dma_start3A_202] : memref<2x!tpu.dma_semaphore, #tpu.memory_space<semaphore_mem>> -> memref<1x!tpu.dma_semaphore, #tpu.memory_space<semaphore_mem>>
    %dma_start3A_217 = tpu.memref_squeeze %dma_start3A_216 : memref<1x!tpu.dma_semaphore, #tpu.memory_space<semaphore_mem>> -> memref<!tpu.dma_semaphore, #tpu.memory_space<semaphore_mem>>
    tpu.enqueue_indirect_dma source(%dma_start3A_215 : memref<1000000x32xf32, #tpu.memory_space<hbm>>) target(%dma_start3A_209 : memref<128x32xf32, #tpu.memory_space<vmem>>) offsets(%dma_start3A_212 : memref<128xi32, #tpu.memory_space<vmem>>) semaphore(%dma_start3A_217 : memref<!tpu.dma_semaphore, #tpu.memory_space<semaphore_mem>>)
    %dma_start3A_218 = arith.constant 12 : i32
    %dma_start3A_219 = arith.constant 1 : i32
    %dma_start3A_220 = arith.constant 1 : i32
    %dma_start3A_221 = arith.constant 0 : i32
    %dma_start3A_222 = arith.constant 0 : i32
    %dma_start3A_223 = tpu.memref_slice %arg6[%dma_start3A_219, %dma_start3A_221, %dma_start3A_222] : memref<2x1280x32xf32, #tpu.memory_space<vmem>> -> memref<1x1280x32xf32, #tpu.memory_space<vmem>>
    %dma_start3A_224 = tpu.memref_squeeze %dma_start3A_223 : memref<1x1280x32xf32, #tpu.memory_space<vmem>> -> memref<1280x32xf32, #tpu.memory_space<vmem>>
    %dma_start3A_225 = arith.constant 256 : i32
    %dma_start3A_226 = arith.constant 0 : i32
    %dma_start3A_227 = tpu.memref_slice %dma_start3A_224[%dma_start3A_225, %dma_start3A_226] : memref<1280x32xf32, #tpu.memory_space<vmem>> -> memref<128x32xf32, #tpu.memory_space<vmem>>
    %dma_start3A_228 = arith.constant 0 : i32
    %dma_start3A_229 = tpu.memref_slice %arg5[%dma_start3A_218, %dma_start3A_228] : memref<200x128xi32, #tpu.memory_space<vmem>> -> memref<1x128xi32, #tpu.memory_space<vmem>>
    %dma_start3A_230 = tpu.memref_squeeze %dma_start3A_229 : memref<1x128xi32, #tpu.memory_space<vmem>> -> memref<128xi32, #tpu.memory_space<vmem>>
    %dma_start3A_231 = arith.constant 0 : i32
    %dma_start3A_232 = arith.constant 0 : i32
    %dma_start3A_233 = tpu.memref_slice %arg2[%dma_start3A_231, %dma_start3A_232] : memref<1000000x32xf32, #tpu.memory_space<hbm>> -> memref<1000000x32xf32, #tpu.memory_space<hbm>>
    %dma_start3A_234 = tpu.memref_slice %arg7[%dma_start3A_220] : memref<2x!tpu.dma_semaphore, #tpu.memory_space<semaphore_mem>> -> memref<1x!tpu.dma_semaphore, #tpu.memory_space<semaphore_mem>>
    %dma_start3A_235 = tpu.memref_squeeze %dma_start3A_234 : memref<1x!tpu.dma_semaphore, #tpu.memory_space<semaphore_mem>> -> memref<!tpu.dma_semaphore, #tpu.memory_space<semaphore_mem>>
    tpu.enqueue_indirect_dma source(%dma_start3A_233 : memref<1000000x32xf32, #tpu.memory_space<hbm>>) target(%dma_start3A_227 : memref<128x32xf32, #tpu.memory_space<vmem>>) offsets(%dma_start3A_230 : memref<128xi32, #tpu.memory_space<vmem>>) semaphore(%dma_start3A_235 : memref<!tpu.dma_semaphore, #tpu.memory_space<semaphore_mem>>)
    %dma_start3A_236 = arith.constant 13 : i32
    %dma_start3A_237 = arith.constant 1 : i32
    %dma_start3A_238 = arith.constant 1 : i32
    %dma_start3A_239 = arith.constant 0 : i32
    %dma_start3A_240 = arith.constant 0 : i32
    %dma_start3A_241 = tpu.memref_slice %arg6[%dma_start3A_237, %dma_start3A_239, %dma_start3A_240] : memref<2x1280x32xf32, #tpu.memory_space<vmem>> -> memref<1x1280x32xf32, #tpu.memory_space<vmem>>
    %dma_start3A_242 = tpu.memref_squeeze %dma_start3A_241 : memref<1x1280x32xf32, #tpu.memory_space<vmem>> -> memref<1280x32xf32, #tpu.memory_space<vmem>>
    %dma_start3A_243 = arith.constant 384 : i32
    %dma_start3A_244 = arith.constant 0 : i32
    %dma_start3A_245 = tpu.memref_slice %dma_start3A_242[%dma_start3A_243, %dma_start3A_244] : memref<1280x32xf32, #tpu.memory_space<vmem>> -> memref<128x32xf32, #tpu.memory_space<vmem>>
    %dma_start3A_246 = arith.constant 0 : i32
    %dma_start3A_247 = tpu.memref_slice %arg5[%dma_start3A_236, %dma_start3A_246] : memref<200x128xi32, #tpu.memory_space<vmem>> -> memref<1x128xi32, #tpu.memory_space<vmem>>
    %dma_start3A_248 = tpu.memref_squeeze %dma_start3A_247 : memref<1x128xi32, #tpu.memory_space<vmem>> -> memref<128xi32, #tpu.memory_space<vmem>>
    %dma_start3A_249 = arith.constant 0 : i32
    %dma_start3A_250 = arith.constant 0 : i32
    %dma_start3A_251 = tpu.memref_slice %arg2[%dma_start3A_249, %dma_start3A_250] : memref<1000000x32xf32, #tpu.memory_space<hbm>> -> memref<1000000x32xf32, #tpu.memory_space<hbm>>
    %dma_start3A_252 = tpu.memref_slice %arg7[%dma_start3A_238] : memref<2x!tpu.dma_semaphore, #tpu.memory_space<semaphore_mem>> -> memref<1x!tpu.dma_semaphore, #tpu.memory_space<semaphore_mem>>
    %dma_start3A_253 = tpu.memref_squeeze %dma_start3A_252 : memref<1x!tpu.dma_semaphore, #tpu.memory_space<semaphore_mem>> -> memref<!tpu.dma_semaphore, #tpu.memory_space<semaphore_mem>>
    tpu.enqueue_indirect_dma source(%dma_start3A_251 : memref<1000000x32xf32, #tpu.memory_space<hbm>>) target(%dma_start3A_245 : memref<128x32xf32, #tpu.memory_space<vmem>>) offsets(%dma_start3A_248 : memref<128xi32, #tpu.memory_space<vmem>>) semaphore(%dma_start3A_253 : memref<!tpu.dma_semaphore, #tpu.memory_space<semaphore_mem>>)
    %dma_start3A_254 = arith.constant 14 : i32
    %dma_start3A_255 = arith.constant 1 : i32
    %dma_start3A_256 = arith.constant 1 : i32
    %dma_start3A_257 = arith.constant 0 : i32
    %dma_start3A_258 = arith.constant 0 : i32
    %dma_start3A_259 = tpu.memref_slice %arg6[%dma_start3A_255, %dma_start3A_257, %dma_start3A_258] : memref<2x1280x32xf32, #tpu.memory_space<vmem>> -> memref<1x1280x32xf32, #tpu.memory_space<vmem>>
    %dma_start3A_260 = tpu.memref_squeeze %dma_start3A_259 : memref<1x1280x32xf32, #tpu.memory_space<vmem>> -> memref<1280x32xf32, #tpu.memory_space<vmem>>
    %dma_start3A_261 = arith.constant 512 : i32
    %dma_start3A_262 = arith.constant 0 : i32
    %dma_start3A_263 = tpu.memref_slice %dma_start3A_260[%dma_start3A_261, %dma_start3A_262] : memref<1280x32xf32, #tpu.memory_space<vmem>> -> memref<128x32xf32, #tpu.memory_space<vmem>>
    %dma_start3A_264 = arith.constant 0 : i32
    %dma_start3A_265 = tpu.memref_slice %arg5[%dma_start3A_254, %dma_start3A_264] : memref<200x128xi32, #tpu.memory_space<vmem>> -> memref<1x128xi32, #tpu.memory_space<vmem>>
    %dma_start3A_266 = tpu.memref_squeeze %dma_start3A_265 : memref<1x128xi32, #tpu.memory_space<vmem>> -> memref<128xi32, #tpu.memory_space<vmem>>
    %dma_start3A_267 = arith.constant 0 : i32
    %dma_start3A_268 = arith.constant 0 : i32
    %dma_start3A_269 = tpu.memref_slice %arg2[%dma_start3A_267, %dma_start3A_268] : memref<1000000x32xf32, #tpu.memory_space<hbm>> -> memref<1000000x32xf32, #tpu.memory_space<hbm>>
    %dma_start3A_270 = tpu.memref_slice %arg7[%dma_start3A_256] : memref<2x!tpu.dma_semaphore, #tpu.memory_space<semaphore_mem>> -> memref<1x!tpu.dma_semaphore, #tpu.memory_space<semaphore_mem>>
    %dma_start3A_271 = tpu.memref_squeeze %dma_start3A_270 : memref<1x!tpu.dma_semaphore, #tpu.memory_space<semaphore_mem>> -> memref<!tpu.dma_semaphore, #tpu.memory_space<semaphore_mem>>
    tpu.enqueue_indirect_dma source(%dma_start3A_269 : memref<1000000x32xf32, #tpu.memory_space<hbm>>) target(%dma_start3A_263 : memref<128x32xf32, #tpu.memory_space<vmem>>) offsets(%dma_start3A_266 : memref<128xi32, #tpu.memory_space<vmem>>) semaphore(%dma_start3A_271 : memref<!tpu.dma_semaphore, #tpu.memory_space<semaphore_mem>>)
    %dma_start3A_272 = arith.constant 15 : i32
    %dma_start3A_273 = arith.constant 1 : i32
    %dma_start3A_274 = arith.constant 1 : i32
    %dma_start3A_275 = arith.constant 0 : i32
    %dma_start3A_276 = arith.constant 0 : i32
    %dma_start3A_277 = tpu.memref_slice %arg6[%dma_start3A_273, %dma_start3A_275, %dma_start3A_276] : memref<2x1280x32xf32, #tpu.memory_space<vmem>> -> memref<1x1280x32xf32, #tpu.memory_space<vmem>>
    %dma_start3A_278 = tpu.memref_squeeze %dma_start3A_277 : memref<1x1280x32xf32, #tpu.memory_space<vmem>> -> memref<1280x32xf32, #tpu.memory_space<vmem>>
    %dma_start3A_279 = arith.constant 640 : i32
    %dma_start3A_280 = arith.constant 0 : i32
    %dma_start3A_281 = tpu.memref_slice %dma_start3A_278[%dma_start3A_279, %dma_start3A_280] : memref<1280x32xf32, #tpu.memory_space<vmem>> -> memref<128x32xf32, #tpu.memory_space<vmem>>
    %dma_start3A_282 = arith.constant 0 : i32
    %dma_start3A_283 = tpu.memref_slice %arg5[%dma_start3A_272, %dma_start3A_282] : memref<200x128xi32, #tpu.memory_space<vmem>> -> memref<1x128xi32, #tpu.memory_space<vmem>>
    %dma_start3A_284 = tpu.memref_squeeze %dma_start3A_283 : memref<1x128xi32, #tpu.memory_space<vmem>> -> memref<128xi32, #tpu.memory_space<vmem>>
    %dma_start3A_285 = arith.constant 0 : i32
    %dma_start3A_286 = arith.constant 0 : i32
    %dma_start3A_287 = tpu.memref_slice %arg2[%dma_start3A_285, %dma_start3A_286] : memref<1000000x32xf32, #tpu.memory_space<hbm>> -> memref<1000000x32xf32, #tpu.memory_space<hbm>>
    %dma_start3A_288 = tpu.memref_slice %arg7[%dma_start3A_274] : memref<2x!tpu.dma_semaphore, #tpu.memory_space<semaphore_mem>> -> memref<1x!tpu.dma_semaphore, #tpu.memory_space<semaphore_mem>>
    %dma_start3A_289 = tpu.memref_squeeze %dma_start3A_288 : memref<1x!tpu.dma_semaphore, #tpu.memory_space<semaphore_mem>> -> memref<!tpu.dma_semaphore, #tpu.memory_space<semaphore_mem>>
    tpu.enqueue_indirect_dma source(%dma_start3A_287 : memref<1000000x32xf32, #tpu.memory_space<hbm>>) target(%dma_start3A_281 : memref<128x32xf32, #tpu.memory_space<vmem>>) offsets(%dma_start3A_284 : memref<128xi32, #tpu.memory_space<vmem>>) semaphore(%dma_start3A_289 : memref<!tpu.dma_semaphore, #tpu.memory_space<semaphore_mem>>)
    %dma_start3A_290 = arith.constant 16 : i32
    %dma_start3A_291 = arith.constant 1 : i32
    %dma_start3A_292 = arith.constant 1 : i32
    %dma_start3A_293 = arith.constant 0 : i32
    %dma_start3A_294 = arith.constant 0 : i32
    %dma_start3A_295 = tpu.memref_slice %arg6[%dma_start3A_291, %dma_start3A_293, %dma_start3A_294] : memref<2x1280x32xf32, #tpu.memory_space<vmem>> -> memref<1x1280x32xf32, #tpu.memory_space<vmem>>
    %dma_start3A_296 = tpu.memref_squeeze %dma_start3A_295 : memref<1x1280x32xf32, #tpu.memory_space<vmem>> -> memref<1280x32xf32, #tpu.memory_space<vmem>>
    %dma_start3A_297 = arith.constant 768 : i32
    %dma_start3A_298 = arith.constant 0 : i32
    %dma_start3A_299 = tpu.memref_slice %dma_start3A_296[%dma_start3A_297, %dma_start3A_298] : memref<1280x32xf32, #tpu.memory_space<vmem>> -> memref<128x32xf32, #tpu.memory_space<vmem>>
    %dma_start3A_300 = arith.constant 0 : i32
    %dma_start3A_301 = tpu.memref_slice %arg5[%dma_start3A_290, %dma_start3A_300] : memref<200x128xi32, #tpu.memory_space<vmem>> -> memref<1x128xi32, #tpu.memory_space<vmem>>
    %dma_start3A_302 = tpu.memref_squeeze %dma_start3A_301 : memref<1x128xi32, #tpu.memory_space<vmem>> -> memref<128xi32, #tpu.memory_space<vmem>>
    %dma_start3A_303 = arith.constant 0 : i32
    %dma_start3A_304 = arith.constant 0 : i32
    %dma_start3A_305 = tpu.memref_slice %arg2[%dma_start3A_303, %dma_start3A_304] : memref<1000000x32xf32, #tpu.memory_space<hbm>> -> memref<1000000x32xf32, #tpu.memory_space<hbm>>
    %dma_start3A_306 = tpu.memref_slice %arg7[%dma_start3A_292] : memref<2x!tpu.dma_semaphore, #tpu.memory_space<semaphore_mem>> -> memref<1x!tpu.dma_semaphore, #tpu.memory_space<semaphore_mem>>
    %dma_start3A_307 = tpu.memref_squeeze %dma_start3A_306 : memref<1x!tpu.dma_semaphore, #tpu.memory_space<semaphore_mem>> -> memref<!tpu.dma_semaphore, #tpu.memory_space<semaphore_mem>>
    tpu.enqueue_indirect_dma source(%dma_start3A_305 : memref<1000000x32xf32, #tpu.memory_space<hbm>>) target(%dma_start3A_299 : memref<128x32xf32, #tpu.memory_space<vmem>>) offsets(%dma_start3A_302 : memref<128xi32, #tpu.memory_space<vmem>>) semaphore(%dma_start3A_307 : memref<!tpu.dma_semaphore, #tpu.memory_space<semaphore_mem>>)
    %dma_start3A_308 = arith.constant 17 : i32
    %dma_start3A_309 = arith.constant 1 : i32
    %dma_start3A_310 = arith.constant 1 : i32
    %dma_start3A_311 = arith.constant 0 : i32
    %dma_start3A_312 = arith.constant 0 : i32
    %dma_start3A_313 = tpu.memref_slice %arg6[%dma_start3A_309, %dma_start3A_311, %dma_start3A_312] : memref<2x1280x32xf32, #tpu.memory_space<vmem>> -> memref<1x1280x32xf32, #tpu.memory_space<vmem>>
    %dma_start3A_314 = tpu.memref_squeeze %dma_start3A_313 : memref<1x1280x32xf32, #tpu.memory_space<vmem>> -> memref<1280x32xf32, #tpu.memory_space<vmem>>
    %dma_start3A_315 = arith.constant 896 : i32
    %dma_start3A_316 = arith.constant 0 : i32
    %dma_start3A_317 = tpu.memref_slice %dma_start3A_314[%dma_start3A_315, %dma_start3A_316] : memref<1280x32xf32, #tpu.memory_space<vmem>> -> memref<128x32xf32, #tpu.memory_space<vmem>>
    %dma_start3A_318 = arith.constant 0 : i32
    %dma_start3A_319 = tpu.memref_slice %arg5[%dma_start3A_308, %dma_start3A_318] : memref<200x128xi32, #tpu.memory_space<vmem>> -> memref<1x128xi32, #tpu.memory_space<vmem>>
    %dma_start3A_320 = tpu.memref_squeeze %dma_start3A_319 : memref<1x128xi32, #tpu.memory_space<vmem>> -> memref<128xi32, #tpu.memory_space<vmem>>
    %dma_start3A_321 = arith.constant 0 : i32
    %dma_start3A_322 = arith.constant 0 : i32
    %dma_start3A_323 = tpu.memref_slice %arg2[%dma_start3A_321, %dma_start3A_322] : memref<1000000x32xf32, #tpu.memory_space<hbm>> -> memref<1000000x32xf32, #tpu.memory_space<hbm>>
    %dma_start3A_324 = tpu.memref_slice %arg7[%dma_start3A_310] : memref<2x!tpu.dma_semaphore, #tpu.memory_space<semaphore_mem>> -> memref<1x!tpu.dma_semaphore, #tpu.memory_space<semaphore_mem>>
    %dma_start3A_325 = tpu.memref_squeeze %dma_start3A_324 : memref<1x!tpu.dma_semaphore, #tpu.memory_space<semaphore_mem>> -> memref<!tpu.dma_semaphore, #tpu.memory_space<semaphore_mem>>
    tpu.enqueue_indirect_dma source(%dma_start3A_323 : memref<1000000x32xf32, #tpu.memory_space<hbm>>) target(%dma_start3A_317 : memref<128x32xf32, #tpu.memory_space<vmem>>) offsets(%dma_start3A_320 : memref<128xi32, #tpu.memory_space<vmem>>) semaphore(%dma_start3A_325 : memref<!tpu.dma_semaphore, #tpu.memory_space<semaphore_mem>>)
    %dma_start3A_326 = arith.constant 18 : i32
    %dma_start3A_327 = arith.constant 1 : i32
    %dma_start3A_328 = arith.constant 1 : i32
    %dma_start3A_329 = arith.constant 0 : i32
    %dma_start3A_330 = arith.constant 0 : i32
    %dma_start3A_331 = tpu.memref_slice %arg6[%dma_start3A_327, %dma_start3A_329, %dma_start3A_330] : memref<2x1280x32xf32, #tpu.memory_space<vmem>> -> memref<1x1280x32xf32, #tpu.memory_space<vmem>>
    %dma_start3A_332 = tpu.memref_squeeze %dma_start3A_331 : memref<1x1280x32xf32, #tpu.memory_space<vmem>> -> memref<1280x32xf32, #tpu.memory_space<vmem>>
    %dma_start3A_333 = arith.constant 1024 : i32
    %dma_start3A_334 = arith.constant 0 : i32
    %dma_start3A_335 = tpu.memref_slice %dma_start3A_332[%dma_start3A_333, %dma_start3A_334] : memref<1280x32xf32, #tpu.memory_space<vmem>> -> memref<128x32xf32, #tpu.memory_space<vmem>>
    %dma_start3A_336 = arith.constant 0 : i32
    %dma_start3A_337 = tpu.memref_slice %arg5[%dma_start3A_326, %dma_start3A_336] : memref<200x128xi32, #tpu.memory_space<vmem>> -> memref<1x128xi32, #tpu.memory_space<vmem>>
    %dma_start3A_338 = tpu.memref_squeeze %dma_start3A_337 : memref<1x128xi32, #tpu.memory_space<vmem>> -> memref<128xi32, #tpu.memory_space<vmem>>
    %dma_start3A_339 = arith.constant 0 : i32
    %dma_start3A_340 = arith.constant 0 : i32
    %dma_start3A_341 = tpu.memref_slice %arg2[%dma_start3A_339, %dma_start3A_340] : memref<1000000x32xf32, #tpu.memory_space<hbm>> -> memref<1000000x32xf32, #tpu.memory_space<hbm>>
    %dma_start3A_342 = tpu.memref_slice %arg7[%dma_start3A_328] : memref<2x!tpu.dma_semaphore, #tpu.memory_space<semaphore_mem>> -> memref<1x!tpu.dma_semaphore, #tpu.memory_space<semaphore_mem>>
    %dma_start3A_343 = tpu.memref_squeeze %dma_start3A_342 : memref<1x!tpu.dma_semaphore, #tpu.memory_space<semaphore_mem>> -> memref<!tpu.dma_semaphore, #tpu.memory_space<semaphore_mem>>
    tpu.enqueue_indirect_dma source(%dma_start3A_341 : memref<1000000x32xf32, #tpu.memory_space<hbm>>) target(%dma_start3A_335 : memref<128x32xf32, #tpu.memory_space<vmem>>) offsets(%dma_start3A_338 : memref<128xi32, #tpu.memory_space<vmem>>) semaphore(%dma_start3A_343 : memref<!tpu.dma_semaphore, #tpu.memory_space<semaphore_mem>>)
    %dma_start3A_344 = arith.constant 19 : i32
    %dma_start3A_345 = arith.constant 1 : i32
    %dma_start3A_346 = arith.constant 1 : i32
    %dma_start3A_347 = arith.constant 0 : i32
    %dma_start3A_348 = arith.constant 0 : i32
    %dma_start3A_349 = tpu.memref_slice %arg6[%dma_start3A_345, %dma_start3A_347, %dma_start3A_348] : memref<2x1280x32xf32, #tpu.memory_space<vmem>> -> memref<1x1280x32xf32, #tpu.memory_space<vmem>>
    %dma_start3A_350 = tpu.memref_squeeze %dma_start3A_349 : memref<1x1280x32xf32, #tpu.memory_space<vmem>> -> memref<1280x32xf32, #tpu.memory_space<vmem>>
    %dma_start3A_351 = arith.constant 1152 : i32
    %dma_start3A_352 = arith.constant 0 : i32
    %dma_start3A_353 = tpu.memref_slice %dma_start3A_350[%dma_start3A_351, %dma_start3A_352] : memref<1280x32xf32, #tpu.memory_space<vmem>> -> memref<128x32xf32, #tpu.memory_space<vmem>>
    %dma_start3A_354 = arith.constant 0 : i32
    %dma_start3A_355 = tpu.memref_slice %arg5[%dma_start3A_344, %dma_start3A_354] : memref<200x128xi32, #tpu.memory_space<vmem>> -> memref<1x128xi32, #tpu.memory_space<vmem>>
    %dma_start3A_356 = tpu.memref_squeeze %dma_start3A_355 : memref<1x128xi32, #tpu.memory_space<vmem>> -> memref<128xi32, #tpu.memory_space<vmem>>
    %dma_start3A_357 = arith.constant 0 : i32
    %dma_start3A_358 = arith.constant 0 : i32
    %dma_start3A_359 = tpu.memref_slice %arg2[%dma_start3A_357, %dma_start3A_358] : memref<1000000x32xf32, #tpu.memory_space<hbm>> -> memref<1000000x32xf32, #tpu.memory_space<hbm>>
    %dma_start3A_360 = tpu.memref_slice %arg7[%dma_start3A_346] : memref<2x!tpu.dma_semaphore, #tpu.memory_space<semaphore_mem>> -> memref<1x!tpu.dma_semaphore, #tpu.memory_space<semaphore_mem>>
    %dma_start3A_361 = tpu.memref_squeeze %dma_start3A_360 : memref<1x!tpu.dma_semaphore, #tpu.memory_space<semaphore_mem>> -> memref<!tpu.dma_semaphore, #tpu.memory_space<semaphore_mem>>
    tpu.enqueue_indirect_dma source(%dma_start3A_359 : memref<1000000x32xf32, #tpu.memory_space<hbm>>) target(%dma_start3A_353 : memref<128x32xf32, #tpu.memory_space<vmem>>) offsets(%dma_start3A_356 : memref<128xi32, #tpu.memory_space<vmem>>) semaphore(%dma_start3A_361 : memref<!tpu.dma_semaphore, #tpu.memory_space<semaphore_mem>>)
    %scan3A = arith.constant 0 : i32
    %scan3A_362 = arith.constant 0 : i32
    %scan3A_363 = arith.constant 10 : i32
    %scan3A_364 = arith.addi %scan3A_362, %scan3A_363 : i32
    %scan3A_365 = arith.constant 1 : i32
    %scan3A_366 = scf.for %scan3A_368 = %scan3A_362 to %scan3A_364 step %scan3A_365 iter_args(%scan3A_369 = %scan3A) -> (i32)  : i32 {
      %mul3A_370 = arith.constant 2 : i32
      %mul3A_371 = arith.muli %mul3A_370, %scan3A_368 : i32
      %add3A_372 = arith.constant 0 : i32
      %add3A_373 = arith.addi %mul3A_371, %add3A_372 : i32
      %dma_wait3A = arith.constant 0 : i32
      %dma_wait3A_374 = arith.constant 0 : i32
      %dma_wait3A_375 = arith.constant 0 : i32
      %dma_wait3A_376 = arith.constant 0 : i32
      %dma_wait3A_377 = arith.constant 0 : i32
      %dma_wait3A_378 = tpu.memref_slice %arg6[%dma_wait3A_374, %dma_wait3A_376, %dma_wait3A_377] : memref<2x1280x32xf32, #tpu.memory_space<vmem>> -> memref<1x1280x32xf32, #tpu.memory_space<vmem>>
      %dma_wait3A_379 = tpu.memref_squeeze %dma_wait3A_378 : memref<1x1280x32xf32, #tpu.memory_space<vmem>> -> memref<1280x32xf32, #tpu.memory_space<vmem>>
      %dma_wait3A_380 = arith.constant 0 : i32
      %dma_wait3A_381 = arith.constant 0 : i32
      %dma_wait3A_382 = tpu.memref_slice %dma_wait3A_379[%dma_wait3A_380, %dma_wait3A_381] : memref<1280x32xf32, #tpu.memory_space<vmem>> -> memref<128x32xf32, #tpu.memory_space<vmem>>
      %dma_wait3A_383 = arith.constant 0 : i32
      %dma_wait3A_384 = tpu.memref_slice %arg5[%dma_wait3A, %dma_wait3A_383] : memref<200x128xi32, #tpu.memory_space<vmem>> -> memref<1x128xi32, #tpu.memory_space<vmem>>
      %dma_wait3A_385 = tpu.memref_squeeze %dma_wait3A_384 : memref<1x128xi32, #tpu.memory_space<vmem>> -> memref<128xi32, #tpu.memory_space<vmem>>
      %dma_wait3A_386 = arith.constant 0 : i32
      %dma_wait3A_387 = arith.constant 0 : i32
      %dma_wait3A_388 = tpu.memref_slice %arg2[%dma_wait3A_386, %dma_wait3A_387] : memref<1000000x32xf32, #tpu.memory_space<hbm>> -> memref<1000000x32xf32, #tpu.memory_space<hbm>>
      %dma_wait3A_389 = tpu.memref_slice %arg7[%dma_wait3A_375] : memref<2x!tpu.dma_semaphore, #tpu.memory_space<semaphore_mem>> -> memref<1x!tpu.dma_semaphore, #tpu.memory_space<semaphore_mem>>
      %dma_wait3A_390 = tpu.memref_squeeze %dma_wait3A_389 : memref<1x!tpu.dma_semaphore, #tpu.memory_space<semaphore_mem>> -> memref<!tpu.dma_semaphore, #tpu.memory_space<semaphore_mem>>
      tpu.wait_indirect_dma semaphore(%dma_wait3A_390 : memref<!tpu.dma_semaphore, #tpu.memory_space<semaphore_mem>>) src(%dma_wait3A_388 : memref<1000000x32xf32, #tpu.memory_space<hbm>>) dst(%dma_wait3A_382 : memref<128x32xf32, #tpu.memory_space<vmem>>)
      %dma_wait3A_391 = arith.constant 0 : i32
      %dma_wait3A_392 = arith.constant 0 : i32
      %dma_wait3A_393 = arith.constant 0 : i32
      %dma_wait3A_394 = arith.constant 0 : i32
      %dma_wait3A_395 = arith.constant 0 : i32
      %dma_wait3A_396 = tpu.memref_slice %arg6[%dma_wait3A_392, %dma_wait3A_394, %dma_wait3A_395] : memref<2x1280x32xf32, #tpu.memory_space<vmem>> -> memref<1x1280x32xf32, #tpu.memory_space<vmem>>
      %dma_wait3A_397 = tpu.memref_squeeze %dma_wait3A_396 : memref<1x1280x32xf32, #tpu.memory_space<vmem>> -> memref<1280x32xf32, #tpu.memory_space<vmem>>
      %dma_wait3A_398 = arith.constant 128 : i32
      %dma_wait3A_399 = arith.constant 0 : i32
      %dma_wait3A_400 = tpu.memref_slice %dma_wait3A_397[%dma_wait3A_398, %dma_wait3A_399] : memref<1280x32xf32, #tpu.memory_space<vmem>> -> memref<128x32xf32, #tpu.memory_space<vmem>>
      %dma_wait3A_401 = arith.constant 0 : i32
      %dma_wait3A_402 = tpu.memref_slice %arg5[%dma_wait3A_391, %dma_wait3A_401] : memref<200x128xi32, #tpu.memory_space<vmem>> -> memref<1x128xi32, #tpu.memory_space<vmem>>
      %dma_wait3A_403 = tpu.memref_squeeze %dma_wait3A_402 : memref<1x128xi32, #tpu.memory_space<vmem>> -> memref<128xi32, #tpu.memory_space<vmem>>
      %dma_wait3A_404 = arith.constant 0 : i32
      %dma_wait3A_405 = arith.constant 0 : i32
      %dma_wait3A_406 = tpu.memref_slice %arg2[%dma_wait3A_404, %dma_wait3A_405] : memref<1000000x32xf32, #tpu.memory_space<hbm>> -> memref<1000000x32xf32, #tpu.memory_space<hbm>>
      %dma_wait3A_407 = tpu.memref_slice %arg7[%dma_wait3A_393] : memref<2x!tpu.dma_semaphore, #tpu.memory_space<semaphore_mem>> -> memref<1x!tpu.dma_semaphore, #tpu.memory_space<semaphore_mem>>
      %dma_wait3A_408 = tpu.memref_squeeze %dma_wait3A_407 : memref<1x!tpu.dma_semaphore, #tpu.memory_space<semaphore_mem>> -> memref<!tpu.dma_semaphore, #tpu.memory_space<semaphore_mem>>
      tpu.wait_indirect_dma semaphore(%dma_wait3A_408 : memref<!tpu.dma_semaphore, #tpu.memory_space<semaphore_mem>>) src(%dma_wait3A_406 : memref<1000000x32xf32, #tpu.memory_space<hbm>>) dst(%dma_wait3A_400 : memref<128x32xf32, #tpu.memory_space<vmem>>)
      %dma_wait3A_409 = arith.constant 0 : i32
      %dma_wait3A_410 = arith.constant 0 : i32
      %dma_wait3A_411 = arith.constant 0 : i32
      %dma_wait3A_412 = arith.constant 0 : i32
      %dma_wait3A_413 = arith.constant 0 : i32
      %dma_wait3A_414 = tpu.memref_slice %arg6[%dma_wait3A_410, %dma_wait3A_412, %dma_wait3A_413] : memref<2x1280x32xf32, #tpu.memory_space<vmem>> -> memref<1x1280x32xf32, #tpu.memory_space<vmem>>
      %dma_wait3A_415 = tpu.memref_squeeze %dma_wait3A_414 : memref<1x1280x32xf32, #tpu.memory_space<vmem>> -> memref<1280x32xf32, #tpu.memory_space<vmem>>
      %dma_wait3A_416 = arith.constant 256 : i32
      %dma_wait3A_417 = arith.constant 0 : i32
      %dma_wait3A_418 = tpu.memref_slice %dma_wait3A_415[%dma_wait3A_416, %dma_wait3A_417] : memref<1280x32xf32, #tpu.memory_space<vmem>> -> memref<128x32xf32, #tpu.memory_space<vmem>>
      %dma_wait3A_419 = arith.constant 0 : i32
      %dma_wait3A_420 = tpu.memref_slice %arg5[%dma_wait3A_409, %dma_wait3A_419] : memref<200x128xi32, #tpu.memory_space<vmem>> -> memref<1x128xi32, #tpu.memory_space<vmem>>
      %dma_wait3A_421 = tpu.memref_squeeze %dma_wait3A_420 : memref<1x128xi32, #tpu.memory_space<vmem>> -> memref<128xi32, #tpu.memory_space<vmem>>
      %dma_wait3A_422 = arith.constant 0 : i32
      %dma_wait3A_423 = arith.constant 0 : i32
      %dma_wait3A_424 = tpu.memref_slice %arg2[%dma_wait3A_422, %dma_wait3A_423] : memref<1000000x32xf32, #tpu.memory_space<hbm>> -> memref<1000000x32xf32, #tpu.memory_space<hbm>>
      %dma_wait3A_425 = tpu.memref_slice %arg7[%dma_wait3A_411] : memref<2x!tpu.dma_semaphore, #tpu.memory_space<semaphore_mem>> -> memref<1x!tpu.dma_semaphore, #tpu.memory_space<semaphore_mem>>
      %dma_wait3A_426 = tpu.memref_squeeze %dma_wait3A_425 : memref<1x!tpu.dma_semaphore, #tpu.memory_space<semaphore_mem>> -> memref<!tpu.dma_semaphore, #tpu.memory_space<semaphore_mem>>
      tpu.wait_indirect_dma semaphore(%dma_wait3A_426 : memref<!tpu.dma_semaphore, #tpu.memory_space<semaphore_mem>>) src(%dma_wait3A_424 : memref<1000000x32xf32, #tpu.memory_space<hbm>>) dst(%dma_wait3A_418 : memref<128x32xf32, #tpu.memory_space<vmem>>)
      %dma_wait3A_427 = arith.constant 0 : i32
      %dma_wait3A_428 = arith.constant 0 : i32
      %dma_wait3A_429 = arith.constant 0 : i32
      %dma_wait3A_430 = arith.constant 0 : i32
      %dma_wait3A_431 = arith.constant 0 : i32
      %dma_wait3A_432 = tpu.memref_slice %arg6[%dma_wait3A_428, %dma_wait3A_430, %dma_wait3A_431] : memref<2x1280x32xf32, #tpu.memory_space<vmem>> -> memref<1x1280x32xf32, #tpu.memory_space<vmem>>
      %dma_wait3A_433 = tpu.memref_squeeze %dma_wait3A_432 : memref<1x1280x32xf32, #tpu.memory_space<vmem>> -> memref<1280x32xf32, #tpu.memory_space<vmem>>
      %dma_wait3A_434 = arith.constant 384 : i32
      %dma_wait3A_435 = arith.constant 0 : i32
      %dma_wait3A_436 = tpu.memref_slice %dma_wait3A_433[%dma_wait3A_434, %dma_wait3A_435] : memref<1280x32xf32, #tpu.memory_space<vmem>> -> memref<128x32xf32, #tpu.memory_space<vmem>>
      %dma_wait3A_437 = arith.constant 0 : i32
      %dma_wait3A_438 = tpu.memref_slice %arg5[%dma_wait3A_427, %dma_wait3A_437] : memref<200x128xi32, #tpu.memory_space<vmem>> -> memref<1x128xi32, #tpu.memory_space<vmem>>
      %dma_wait3A_439 = tpu.memref_squeeze %dma_wait3A_438 : memref<1x128xi32, #tpu.memory_space<vmem>> -> memref<128xi32, #tpu.memory_space<vmem>>
      %dma_wait3A_440 = arith.constant 0 : i32
      %dma_wait3A_441 = arith.constant 0 : i32
      %dma_wait3A_442 = tpu.memref_slice %arg2[%dma_wait3A_440, %dma_wait3A_441] : memref<1000000x32xf32, #tpu.memory_space<hbm>> -> memref<1000000x32xf32, #tpu.memory_space<hbm>>
      %dma_wait3A_443 = tpu.memref_slice %arg7[%dma_wait3A_429] : memref<2x!tpu.dma_semaphore, #tpu.memory_space<semaphore_mem>> -> memref<1x!tpu.dma_semaphore, #tpu.memory_space<semaphore_mem>>
      %dma_wait3A_444 = tpu.memref_squeeze %dma_wait3A_443 : memref<1x!tpu.dma_semaphore, #tpu.memory_space<semaphore_mem>> -> memref<!tpu.dma_semaphore, #tpu.memory_space<semaphore_mem>>
      tpu.wait_indirect_dma semaphore(%dma_wait3A_444 : memref<!tpu.dma_semaphore, #tpu.memory_space<semaphore_mem>>) src(%dma_wait3A_442 : memref<1000000x32xf32, #tpu.memory_space<hbm>>) dst(%dma_wait3A_436 : memref<128x32xf32, #tpu.memory_space<vmem>>)
      %dma_wait3A_445 = arith.constant 0 : i32
      %dma_wait3A_446 = arith.constant 0 : i32
      %dma_wait3A_447 = arith.constant 0 : i32
      %dma_wait3A_448 = arith.constant 0 : i32
      %dma_wait3A_449 = arith.constant 0 : i32
      %dma_wait3A_450 = tpu.memref_slice %arg6[%dma_wait3A_446, %dma_wait3A_448, %dma_wait3A_449] : memref<2x1280x32xf32, #tpu.memory_space<vmem>> -> memref<1x1280x32xf32, #tpu.memory_space<vmem>>
      %dma_wait3A_451 = tpu.memref_squeeze %dma_wait3A_450 : memref<1x1280x32xf32, #tpu.memory_space<vmem>> -> memref<1280x32xf32, #tpu.memory_space<vmem>>
      %dma_wait3A_452 = arith.constant 512 : i32
      %dma_wait3A_453 = arith.constant 0 : i32
      %dma_wait3A_454 = tpu.memref_slice %dma_wait3A_451[%dma_wait3A_452, %dma_wait3A_453] : memref<1280x32xf32, #tpu.memory_space<vmem>> -> memref<128x32xf32, #tpu.memory_space<vmem>>
      %dma_wait3A_455 = arith.constant 0 : i32
      %dma_wait3A_456 = tpu.memref_slice %arg5[%dma_wait3A_445, %dma_wait3A_455] : memref<200x128xi32, #tpu.memory_space<vmem>> -> memref<1x128xi32, #tpu.memory_space<vmem>>
      %dma_wait3A_457 = tpu.memref_squeeze %dma_wait3A_456 : memref<1x128xi32, #tpu.memory_space<vmem>> -> memref<128xi32, #tpu.memory_space<vmem>>
      %dma_wait3A_458 = arith.constant 0 : i32
      %dma_wait3A_459 = arith.constant 0 : i32
      %dma_wait3A_460 = tpu.memref_slice %arg2[%dma_wait3A_458, %dma_wait3A_459] : memref<1000000x32xf32, #tpu.memory_space<hbm>> -> memref<1000000x32xf32, #tpu.memory_space<hbm>>
      %dma_wait3A_461 = tpu.memref_slice %arg7[%dma_wait3A_447] : memref<2x!tpu.dma_semaphore, #tpu.memory_space<semaphore_mem>> -> memref<1x!tpu.dma_semaphore, #tpu.memory_space<semaphore_mem>>
      %dma_wait3A_462 = tpu.memref_squeeze %dma_wait3A_461 : memref<1x!tpu.dma_semaphore, #tpu.memory_space<semaphore_mem>> -> memref<!tpu.dma_semaphore, #tpu.memory_space<semaphore_mem>>
      tpu.wait_indirect_dma semaphore(%dma_wait3A_462 : memref<!tpu.dma_semaphore, #tpu.memory_space<semaphore_mem>>) src(%dma_wait3A_460 : memref<1000000x32xf32, #tpu.memory_space<hbm>>) dst(%dma_wait3A_454 : memref<128x32xf32, #tpu.memory_space<vmem>>)
      %dma_wait3A_463 = arith.constant 0 : i32
      %dma_wait3A_464 = arith.constant 0 : i32
      %dma_wait3A_465 = arith.constant 0 : i32
      %dma_wait3A_466 = arith.constant 0 : i32
      %dma_wait3A_467 = arith.constant 0 : i32
      %dma_wait3A_468 = tpu.memref_slice %arg6[%dma_wait3A_464, %dma_wait3A_466, %dma_wait3A_467] : memref<2x1280x32xf32, #tpu.memory_space<vmem>> -> memref<1x1280x32xf32, #tpu.memory_space<vmem>>
      %dma_wait3A_469 = tpu.memref_squeeze %dma_wait3A_468 : memref<1x1280x32xf32, #tpu.memory_space<vmem>> -> memref<1280x32xf32, #tpu.memory_space<vmem>>
      %dma_wait3A_470 = arith.constant 640 : i32
      %dma_wait3A_471 = arith.constant 0 : i32
      %dma_wait3A_472 = tpu.memref_slice %dma_wait3A_469[%dma_wait3A_470, %dma_wait3A_471] : memref<1280x32xf32, #tpu.memory_space<vmem>> -> memref<128x32xf32, #tpu.memory_space<vmem>>
      %dma_wait3A_473 = arith.constant 0 : i32
      %dma_wait3A_474 = tpu.memref_slice %arg5[%dma_wait3A_463, %dma_wait3A_473] : memref<200x128xi32, #tpu.memory_space<vmem>> -> memref<1x128xi32, #tpu.memory_space<vmem>>
      %dma_wait3A_475 = tpu.memref_squeeze %dma_wait3A_474 : memref<1x128xi32, #tpu.memory_space<vmem>> -> memref<128xi32, #tpu.memory_space<vmem>>
      %dma_wait3A_476 = arith.constant 0 : i32
      %dma_wait3A_477 = arith.constant 0 : i32
      %dma_wait3A_478 = tpu.memref_slice %arg2[%dma_wait3A_476, %dma_wait3A_477] : memref<1000000x32xf32, #tpu.memory_space<hbm>> -> memref<1000000x32xf32, #tpu.memory_space<hbm>>
      %dma_wait3A_479 = tpu.memref_slice %arg7[%dma_wait3A_465] : memref<2x!tpu.dma_semaphore, #tpu.memory_space<semaphore_mem>> -> memref<1x!tpu.dma_semaphore, #tpu.memory_space<semaphore_mem>>
      %dma_wait3A_480 = tpu.memref_squeeze %dma_wait3A_479 : memref<1x!tpu.dma_semaphore, #tpu.memory_space<semaphore_mem>> -> memref<!tpu.dma_semaphore, #tpu.memory_space<semaphore_mem>>
      tpu.wait_indirect_dma semaphore(%dma_wait3A_480 : memref<!tpu.dma_semaphore, #tpu.memory_space<semaphore_mem>>) src(%dma_wait3A_478 : memref<1000000x32xf32, #tpu.memory_space<hbm>>) dst(%dma_wait3A_472 : memref<128x32xf32, #tpu.memory_space<vmem>>)
      %dma_wait3A_481 = arith.constant 0 : i32
      %dma_wait3A_482 = arith.constant 0 : i32
      %dma_wait3A_483 = arith.constant 0 : i32
      %dma_wait3A_484 = arith.constant 0 : i32
      %dma_wait3A_485 = arith.constant 0 : i32
      %dma_wait3A_486 = tpu.memref_slice %arg6[%dma_wait3A_482, %dma_wait3A_484, %dma_wait3A_485] : memref<2x1280x32xf32, #tpu.memory_space<vmem>> -> memref<1x1280x32xf32, #tpu.memory_space<vmem>>
      %dma_wait3A_487 = tpu.memref_squeeze %dma_wait3A_486 : memref<1x1280x32xf32, #tpu.memory_space<vmem>> -> memref<1280x32xf32, #tpu.memory_space<vmem>>
      %dma_wait3A_488 = arith.constant 768 : i32
      %dma_wait3A_489 = arith.constant 0 : i32
      %dma_wait3A_490 = tpu.memref_slice %dma_wait3A_487[%dma_wait3A_488, %dma_wait3A_489] : memref<1280x32xf32, #tpu.memory_space<vmem>> -> memref<128x32xf32, #tpu.memory_space<vmem>>
      %dma_wait3A_491 = arith.constant 0 : i32
      %dma_wait3A_492 = tpu.memref_slice %arg5[%dma_wait3A_481, %dma_wait3A_491] : memref<200x128xi32, #tpu.memory_space<vmem>> -> memref<1x128xi32, #tpu.memory_space<vmem>>
      %dma_wait3A_493 = tpu.memref_squeeze %dma_wait3A_492 : memref<1x128xi32, #tpu.memory_space<vmem>> -> memref<128xi32, #tpu.memory_space<vmem>>
      %dma_wait3A_494 = arith.constant 0 : i32
      %dma_wait3A_495 = arith.constant 0 : i32
      %dma_wait3A_496 = tpu.memref_slice %arg2[%dma_wait3A_494, %dma_wait3A_495] : memref<1000000x32xf32, #tpu.memory_space<hbm>> -> memref<1000000x32xf32, #tpu.memory_space<hbm>>
      %dma_wait3A_497 = tpu.memref_slice %arg7[%dma_wait3A_483] : memref<2x!tpu.dma_semaphore, #tpu.memory_space<semaphore_mem>> -> memref<1x!tpu.dma_semaphore, #tpu.memory_space<semaphore_mem>>
      %dma_wait3A_498 = tpu.memref_squeeze %dma_wait3A_497 : memref<1x!tpu.dma_semaphore, #tpu.memory_space<semaphore_mem>> -> memref<!tpu.dma_semaphore, #tpu.memory_space<semaphore_mem>>
      tpu.wait_indirect_dma semaphore(%dma_wait3A_498 : memref<!tpu.dma_semaphore, #tpu.memory_space<semaphore_mem>>) src(%dma_wait3A_496 : memref<1000000x32xf32, #tpu.memory_space<hbm>>) dst(%dma_wait3A_490 : memref<128x32xf32, #tpu.memory_space<vmem>>)
      %dma_wait3A_499 = arith.constant 0 : i32
      %dma_wait3A_500 = arith.constant 0 : i32
      %dma_wait3A_501 = arith.constant 0 : i32
      %dma_wait3A_502 = arith.constant 0 : i32
      %dma_wait3A_503 = arith.constant 0 : i32
      %dma_wait3A_504 = tpu.memref_slice %arg6[%dma_wait3A_500, %dma_wait3A_502, %dma_wait3A_503] : memref<2x1280x32xf32, #tpu.memory_space<vmem>> -> memref<1x1280x32xf32, #tpu.memory_space<vmem>>
      %dma_wait3A_505 = tpu.memref_squeeze %dma_wait3A_504 : memref<1x1280x32xf32, #tpu.memory_space<vmem>> -> memref<1280x32xf32, #tpu.memory_space<vmem>>
      %dma_wait3A_506 = arith.constant 896 : i32
      %dma_wait3A_507 = arith.constant 0 : i32
      %dma_wait3A_508 = tpu.memref_slice %dma_wait3A_505[%dma_wait3A_506, %dma_wait3A_507] : memref<1280x32xf32, #tpu.memory_space<vmem>> -> memref<128x32xf32, #tpu.memory_space<vmem>>
      %dma_wait3A_509 = arith.constant 0 : i32
      %dma_wait3A_510 = tpu.memref_slice %arg5[%dma_wait3A_499, %dma_wait3A_509] : memref<200x128xi32, #tpu.memory_space<vmem>> -> memref<1x128xi32, #tpu.memory_space<vmem>>
      %dma_wait3A_511 = tpu.memref_squeeze %dma_wait3A_510 : memref<1x128xi32, #tpu.memory_space<vmem>> -> memref<128xi32, #tpu.memory_space<vmem>>
      %dma_wait3A_512 = arith.constant 0 : i32
      %dma_wait3A_513 = arith.constant 0 : i32
      %dma_wait3A_514 = tpu.memref_slice %arg2[%dma_wait3A_512, %dma_wait3A_513] : memref<1000000x32xf32, #tpu.memory_space<hbm>> -> memref<1000000x32xf32, #tpu.memory_space<hbm>>
      %dma_wait3A_515 = tpu.memref_slice %arg7[%dma_wait3A_501] : memref<2x!tpu.dma_semaphore, #tpu.memory_space<semaphore_mem>> -> memref<1x!tpu.dma_semaphore, #tpu.memory_space<semaphore_mem>>
      %dma_wait3A_516 = tpu.memref_squeeze %dma_wait3A_515 : memref<1x!tpu.dma_semaphore, #tpu.memory_space<semaphore_mem>> -> memref<!tpu.dma_semaphore, #tpu.memory_space<semaphore_mem>>
      tpu.wait_indirect_dma semaphore(%dma_wait3A_516 : memref<!tpu.dma_semaphore, #tpu.memory_space<semaphore_mem>>) src(%dma_wait3A_514 : memref<1000000x32xf32, #tpu.memory_space<hbm>>) dst(%dma_wait3A_508 : memref<128x32xf32, #tpu.memory_space<vmem>>)
      %dma_wait3A_517 = arith.constant 0 : i32
      %dma_wait3A_518 = arith.constant 0 : i32
      %dma_wait3A_519 = arith.constant 0 : i32
      %dma_wait3A_520 = arith.constant 0 : i32
      %dma_wait3A_521 = arith.constant 0 : i32
      %dma_wait3A_522 = tpu.memref_slice %arg6[%dma_wait3A_518, %dma_wait3A_520, %dma_wait3A_521] : memref<2x1280x32xf32, #tpu.memory_space<vmem>> -> memref<1x1280x32xf32, #tpu.memory_space<vmem>>
      %dma_wait3A_523 = tpu.memref_squeeze %dma_wait3A_522 : memref<1x1280x32xf32, #tpu.memory_space<vmem>> -> memref<1280x32xf32, #tpu.memory_space<vmem>>
      %dma_wait3A_524 = arith.constant 1024 : i32
      %dma_wait3A_525 = arith.constant 0 : i32
      %dma_wait3A_526 = tpu.memref_slice %dma_wait3A_523[%dma_wait3A_524, %dma_wait3A_525] : memref<1280x32xf32, #tpu.memory_space<vmem>> -> memref<128x32xf32, #tpu.memory_space<vmem>>
      %dma_wait3A_527 = arith.constant 0 : i32
      %dma_wait3A_528 = tpu.memref_slice %arg5[%dma_wait3A_517, %dma_wait3A_527] : memref<200x128xi32, #tpu.memory_space<vmem>> -> memref<1x128xi32, #tpu.memory_space<vmem>>
      %dma_wait3A_529 = tpu.memref_squeeze %dma_wait3A_528 : memref<1x128xi32, #tpu.memory_space<vmem>> -> memref<128xi32, #tpu.memory_space<vmem>>
      %dma_wait3A_530 = arith.constant 0 : i32
      %dma_wait3A_531 = arith.constant 0 : i32
      %dma_wait3A_532 = tpu.memref_slice %arg2[%dma_wait3A_530, %dma_wait3A_531] : memref<1000000x32xf32, #tpu.memory_space<hbm>> -> memref<1000000x32xf32, #tpu.memory_space<hbm>>
      %dma_wait3A_533 = tpu.memref_slice %arg7[%dma_wait3A_519] : memref<2x!tpu.dma_semaphore, #tpu.memory_space<semaphore_mem>> -> memref<1x!tpu.dma_semaphore, #tpu.memory_space<semaphore_mem>>
      %dma_wait3A_534 = tpu.memref_squeeze %dma_wait3A_533 : memref<1x!tpu.dma_semaphore, #tpu.memory_space<semaphore_mem>> -> memref<!tpu.dma_semaphore, #tpu.memory_space<semaphore_mem>>
      tpu.wait_indirect_dma semaphore(%dma_wait3A_534 : memref<!tpu.dma_semaphore, #tpu.memory_space<semaphore_mem>>) src(%dma_wait3A_532 : memref<1000000x32xf32, #tpu.memory_space<hbm>>) dst(%dma_wait3A_526 : memref<128x32xf32, #tpu.memory_space<vmem>>)
      %dma_wait3A_535 = arith.constant 0 : i32
      %dma_wait3A_536 = arith.constant 0 : i32
      %dma_wait3A_537 = arith.constant 0 : i32
      %dma_wait3A_538 = arith.constant 0 : i32
      %dma_wait3A_539 = arith.constant 0 : i32
      %dma_wait3A_540 = tpu.memref_slice %arg6[%dma_wait3A_536, %dma_wait3A_538, %dma_wait3A_539] : memref<2x1280x32xf32, #tpu.memory_space<vmem>> -> memref<1x1280x32xf32, #tpu.memory_space<vmem>>
      %dma_wait3A_541 = tpu.memref_squeeze %dma_wait3A_540 : memref<1x1280x32xf32, #tpu.memory_space<vmem>> -> memref<1280x32xf32, #tpu.memory_space<vmem>>
      %dma_wait3A_542 = arith.constant 1152 : i32
      %dma_wait3A_543 = arith.constant 0 : i32
      %dma_wait3A_544 = tpu.memref_slice %dma_wait3A_541[%dma_wait3A_542, %dma_wait3A_543] : memref<1280x32xf32, #tpu.memory_space<vmem>> -> memref<128x32xf32, #tpu.memory_space<vmem>>
      %dma_wait3A_545 = arith.constant 0 : i32
      %dma_wait3A_546 = tpu.memref_slice %arg5[%dma_wait3A_535, %dma_wait3A_545] : memref<200x128xi32, #tpu.memory_space<vmem>> -> memref<1x128xi32, #tpu.memory_space<vmem>>
      %dma_wait3A_547 = tpu.memref_squeeze %dma_wait3A_546 : memref<1x128xi32, #tpu.memory_space<vmem>> -> memref<128xi32, #tpu.memory_space<vmem>>
      %dma_wait3A_548 = arith.constant 0 : i32
      %dma_wait3A_549 = arith.constant 0 : i32
      %dma_wait3A_550 = tpu.memref_slice %arg2[%dma_wait3A_548, %dma_wait3A_549] : memref<1000000x32xf32, #tpu.memory_space<hbm>> -> memref<1000000x32xf32, #tpu.memory_space<hbm>>
      %dma_wait3A_551 = tpu.memref_slice %arg7[%dma_wait3A_537] : memref<2x!tpu.dma_semaphore, #tpu.memory_space<semaphore_mem>> -> memref<1x!tpu.dma_semaphore, #tpu.memory_space<semaphore_mem>>
      %dma_wait3A_552 = tpu.memref_squeeze %dma_wait3A_551 : memref<1x!tpu.dma_semaphore, #tpu.memory_space<semaphore_mem>> -> memref<!tpu.dma_semaphore, #tpu.memory_space<semaphore_mem>>
      tpu.wait_indirect_dma semaphore(%dma_wait3A_552 : memref<!tpu.dma_semaphore, #tpu.memory_space<semaphore_mem>>) src(%dma_wait3A_550 : memref<1000000x32xf32, #tpu.memory_space<hbm>>) dst(%dma_wait3A_544 : memref<128x32xf32, #tpu.memory_space<vmem>>)
      %mul3A_553 = arith.constant 1280 : i32
      %mul3A_554 = arith.muli %add3A_373, %mul3A_553 : i32
      %add3A_555 = arith.addi %mul3A_2, %mul3A_554 : i32
      %dma_start3A_556 = arith.constant 0 : i32
      %dma_start3A_557 = arith.constant 0 : i32
      %dma_start3A_558 = arith.constant 0 : i32
      %dma_start3A_559 = arith.constant 0 : i32
      %dma_start3A_560 = tpu.memref_slice %arg6[%dma_start3A_556, %dma_start3A_558, %dma_start3A_559] : memref<2x1280x32xf32, #tpu.memory_space<vmem>> -> memref<1x1280x32xf32, #tpu.memory_space<vmem>>
      %dma_start3A_561 = tpu.memref_squeeze %dma_start3A_560 : memref<1x1280x32xf32, #tpu.memory_space<vmem>> -> memref<1280x32xf32, #tpu.memory_space<vmem>>
      %dma_start3A_562 = arith.constant 0 : i32
      %dma_start3A_563 = tpu.memref_slice %arg4[%add3A_555, %dma_start3A_562] : memref<819200x32xf32, #tpu.memory_space<hbm>> -> memref<1280x32xf32, #tpu.memory_space<hbm>>
      %dma_start3A_564 = tpu.memref_slice %arg8[%dma_start3A_557] : memref<2x!tpu.dma_semaphore, #tpu.memory_space<semaphore_mem>> -> memref<1x!tpu.dma_semaphore, #tpu.memory_space<semaphore_mem>>
      %dma_start3A_565 = tpu.memref_squeeze %dma_start3A_564 : memref<1x!tpu.dma_semaphore, #tpu.memory_space<semaphore_mem>> -> memref<!tpu.dma_semaphore, #tpu.memory_space<semaphore_mem>>
      %dma_start3A_566 = arith.constant 0 : i32
      %dma_start3A_567 = tpu.memref_slice %arg4[%add3A_555, %dma_start3A_566] : memref<819200x32xf32, #tpu.memory_space<hbm>> -> memref<1280x32xf32, #tpu.memory_space<hbm>>
      %dma_start3A_568 = arith.constant 0 : i32
      %dma_start3A_569 = arith.constant 0 : i32
      %dma_start3A_570 = tpu.memref_slice %arg6[%dma_start3A_556, %dma_start3A_568, %dma_start3A_569] : memref<2x1280x32xf32, #tpu.memory_space<vmem>> -> memref<1x1280x32xf32, #tpu.memory_space<vmem>>
      %dma_start3A_571 = tpu.memref_squeeze %dma_start3A_570 : memref<1x1280x32xf32, #tpu.memory_space<vmem>> -> memref<1280x32xf32, #tpu.memory_space<vmem>>
      tpu.enqueue_dma source(%dma_start3A_571 : memref<1280x32xf32, #tpu.memory_space<vmem>>) target(%dma_start3A_567 : memref<1280x32xf32, #tpu.memory_space<hbm>>) target_semaphore(%dma_start3A_565 : memref<!tpu.dma_semaphore, #tpu.memory_space<semaphore_mem>>)
      %add3A_572 = arith.constant 1 : i32
      %add3A_573 = arith.addi %mul3A_371, %add3A_572 : i32
      %dma_wait3A_574 = arith.constant 0 : i32
      %dma_wait3A_575 = arith.constant 1 : i32
      %dma_wait3A_576 = arith.constant 1 : i32
      %dma_wait3A_577 = arith.constant 0 : i32
      %dma_wait3A_578 = arith.constant 0 : i32
      %dma_wait3A_579 = tpu.memref_slice %arg6[%dma_wait3A_575, %dma_wait3A_577, %dma_wait3A_578] : memref<2x1280x32xf32, #tpu.memory_space<vmem>> -> memref<1x1280x32xf32, #tpu.memory_space<vmem>>
      %dma_wait3A_580 = tpu.memref_squeeze %dma_wait3A_579 : memref<1x1280x32xf32, #tpu.memory_space<vmem>> -> memref<1280x32xf32, #tpu.memory_space<vmem>>
      %dma_wait3A_581 = arith.constant 0 : i32
      %dma_wait3A_582 = arith.constant 0 : i32
      %dma_wait3A_583 = tpu.memref_slice %dma_wait3A_580[%dma_wait3A_581, %dma_wait3A_582] : memref<1280x32xf32, #tpu.memory_space<vmem>> -> memref<128x32xf32, #tpu.memory_space<vmem>>
      %dma_wait3A_584 = arith.constant 0 : i32
      %dma_wait3A_585 = tpu.memref_slice %arg5[%dma_wait3A_574, %dma_wait3A_584] : memref<200x128xi32, #tpu.memory_space<vmem>> -> memref<1x128xi32, #tpu.memory_space<vmem>>
      %dma_wait3A_586 = tpu.memref_squeeze %dma_wait3A_585 : memref<1x128xi32, #tpu.memory_space<vmem>> -> memref<128xi32, #tpu.memory_space<vmem>>
      %dma_wait3A_587 = arith.constant 0 : i32
      %dma_wait3A_588 = arith.constant 0 : i32
      %dma_wait3A_589 = tpu.memref_slice %arg2[%dma_wait3A_587, %dma_wait3A_588] : memref<1000000x32xf32, #tpu.memory_space<hbm>> -> memref<1000000x32xf32, #tpu.memory_space<hbm>>
      %dma_wait3A_590 = tpu.memref_slice %arg7[%dma_wait3A_576] : memref<2x!tpu.dma_semaphore, #tpu.memory_space<semaphore_mem>> -> memref<1x!tpu.dma_semaphore, #tpu.memory_space<semaphore_mem>>
      %dma_wait3A_591 = tpu.memref_squeeze %dma_wait3A_590 : memref<1x!tpu.dma_semaphore, #tpu.memory_space<semaphore_mem>> -> memref<!tpu.dma_semaphore, #tpu.memory_space<semaphore_mem>>
      tpu.wait_indirect_dma semaphore(%dma_wait3A_591 : memref<!tpu.dma_semaphore, #tpu.memory_space<semaphore_mem>>) src(%dma_wait3A_589 : memref<1000000x32xf32, #tpu.memory_space<hbm>>) dst(%dma_wait3A_583 : memref<128x32xf32, #tpu.memory_space<vmem>>)
      %dma_wait3A_592 = arith.constant 0 : i32
      %dma_wait3A_593 = arith.constant 1 : i32
      %dma_wait3A_594 = arith.constant 1 : i32
      %dma_wait3A_595 = arith.constant 0 : i32
      %dma_wait3A_596 = arith.constant 0 : i32
      %dma_wait3A_597 = tpu.memref_slice %arg6[%dma_wait3A_593, %dma_wait3A_595, %dma_wait3A_596] : memref<2x1280x32xf32, #tpu.memory_space<vmem>> -> memref<1x1280x32xf32, #tpu.memory_space<vmem>>
      %dma_wait3A_598 = tpu.memref_squeeze %dma_wait3A_597 : memref<1x1280x32xf32, #tpu.memory_space<vmem>> -> memref<1280x32xf32, #tpu.memory_space<vmem>>
      %dma_wait3A_599 = arith.constant 128 : i32
      %dma_wait3A_600 = arith.constant 0 : i32
      %dma_wait3A_601 = tpu.memref_slice %dma_wait3A_598[%dma_wait3A_599, %dma_wait3A_600] : memref<1280x32xf32, #tpu.memory_space<vmem>> -> memref<128x32xf32, #tpu.memory_space<vmem>>
      %dma_wait3A_602 = arith.constant 0 : i32
      %dma_wait3A_603 = tpu.memref_slice %arg5[%dma_wait3A_592, %dma_wait3A_602] : memref<200x128xi32, #tpu.memory_space<vmem>> -> memref<1x128xi32, #tpu.memory_space<vmem>>
      %dma_wait3A_604 = tpu.memref_squeeze %dma_wait3A_603 : memref<1x128xi32, #tpu.memory_space<vmem>> -> memref<128xi32, #tpu.memory_space<vmem>>
      %dma_wait3A_605 = arith.constant 0 : i32
      %dma_wait3A_606 = arith.constant 0 : i32
      %dma_wait3A_607 = tpu.memref_slice %arg2[%dma_wait3A_605, %dma_wait3A_606] : memref<1000000x32xf32, #tpu.memory_space<hbm>> -> memref<1000000x32xf32, #tpu.memory_space<hbm>>
      %dma_wait3A_608 = tpu.memref_slice %arg7[%dma_wait3A_594] : memref<2x!tpu.dma_semaphore, #tpu.memory_space<semaphore_mem>> -> memref<1x!tpu.dma_semaphore, #tpu.memory_space<semaphore_mem>>
      %dma_wait3A_609 = tpu.memref_squeeze %dma_wait3A_608 : memref<1x!tpu.dma_semaphore, #tpu.memory_space<semaphore_mem>> -> memref<!tpu.dma_semaphore, #tpu.memory_space<semaphore_mem>>
      tpu.wait_indirect_dma semaphore(%dma_wait3A_609 : memref<!tpu.dma_semaphore, #tpu.memory_space<semaphore_mem>>) src(%dma_wait3A_607 : memref<1000000x32xf32, #tpu.memory_space<hbm>>) dst(%dma_wait3A_601 : memref<128x32xf32, #tpu.memory_space<vmem>>)
      %dma_wait3A_610 = arith.constant 0 : i32
      %dma_wait3A_611 = arith.constant 1 : i32
      %dma_wait3A_612 = arith.constant 1 : i32
      %dma_wait3A_613 = arith.constant 0 : i32
      %dma_wait3A_614 = arith.constant 0 : i32
      %dma_wait3A_615 = tpu.memref_slice %arg6[%dma_wait3A_611, %dma_wait3A_613, %dma_wait3A_614] : memref<2x1280x32xf32, #tpu.memory_space<vmem>> -> memref<1x1280x32xf32, #tpu.memory_space<vmem>>
      %dma_wait3A_616 = tpu.memref_squeeze %dma_wait3A_615 : memref<1x1280x32xf32, #tpu.memory_space<vmem>> -> memref<1280x32xf32, #tpu.memory_space<vmem>>
      %dma_wait3A_617 = arith.constant 256 : i32
      %dma_wait3A_618 = arith.constant 0 : i32
      %dma_wait3A_619 = tpu.memref_slice %dma_wait3A_616[%dma_wait3A_617, %dma_wait3A_618] : memref<1280x32xf32, #tpu.memory_space<vmem>> -> memref<128x32xf32, #tpu.memory_space<vmem>>
      %dma_wait3A_620 = arith.constant 0 : i32
      %dma_wait3A_621 = tpu.memref_slice %arg5[%dma_wait3A_610, %dma_wait3A_620] : memref<200x128xi32, #tpu.memory_space<vmem>> -> memref<1x128xi32, #tpu.memory_space<vmem>>
      %dma_wait3A_622 = tpu.memref_squeeze %dma_wait3A_621 : memref<1x128xi32, #tpu.memory_space<vmem>> -> memref<128xi32, #tpu.memory_space<vmem>>
      %dma_wait3A_623 = arith.constant 0 : i32
      %dma_wait3A_624 = arith.constant 0 : i32
      %dma_wait3A_625 = tpu.memref_slice %arg2[%dma_wait3A_623, %dma_wait3A_624] : memref<1000000x32xf32, #tpu.memory_space<hbm>> -> memref<1000000x32xf32, #tpu.memory_space<hbm>>
      %dma_wait3A_626 = tpu.memref_slice %arg7[%dma_wait3A_612] : memref<2x!tpu.dma_semaphore, #tpu.memory_space<semaphore_mem>> -> memref<1x!tpu.dma_semaphore, #tpu.memory_space<semaphore_mem>>
      %dma_wait3A_627 = tpu.memref_squeeze %dma_wait3A_626 : memref<1x!tpu.dma_semaphore, #tpu.memory_space<semaphore_mem>> -> memref<!tpu.dma_semaphore, #tpu.memory_space<semaphore_mem>>
      tpu.wait_indirect_dma semaphore(%dma_wait3A_627 : memref<!tpu.dma_semaphore, #tpu.memory_space<semaphore_mem>>) src(%dma_wait3A_625 : memref<1000000x32xf32, #tpu.memory_space<hbm>>) dst(%dma_wait3A_619 : memref<128x32xf32, #tpu.memory_space<vmem>>)
      %dma_wait3A_628 = arith.constant 0 : i32
      %dma_wait3A_629 = arith.constant 1 : i32
      %dma_wait3A_630 = arith.constant 1 : i32
      %dma_wait3A_631 = arith.constant 0 : i32
      %dma_wait3A_632 = arith.constant 0 : i32
      %dma_wait3A_633 = tpu.memref_slice %arg6[%dma_wait3A_629, %dma_wait3A_631, %dma_wait3A_632] : memref<2x1280x32xf32, #tpu.memory_space<vmem>> -> memref<1x1280x32xf32, #tpu.memory_space<vmem>>
      %dma_wait3A_634 = tpu.memref_squeeze %dma_wait3A_633 : memref<1x1280x32xf32, #tpu.memory_space<vmem>> -> memref<1280x32xf32, #tpu.memory_space<vmem>>
      %dma_wait3A_635 = arith.constant 384 : i32
      %dma_wait3A_636 = arith.constant 0 : i32
      %dma_wait3A_637 = tpu.memref_slice %dma_wait3A_634[%dma_wait3A_635, %dma_wait3A_636] : memref<1280x32xf32, #tpu.memory_space<vmem>> -> memref<128x32xf32, #tpu.memory_space<vmem>>
      %dma_wait3A_638 = arith.constant 0 : i32
      %dma_wait3A_639 = tpu.memref_slice %arg5[%dma_wait3A_628, %dma_wait3A_638] : memref<200x128xi32, #tpu.memory_space<vmem>> -> memref<1x128xi32, #tpu.memory_space<vmem>>
      %dma_wait3A_640 = tpu.memref_squeeze %dma_wait3A_639 : memref<1x128xi32, #tpu.memory_space<vmem>> -> memref<128xi32, #tpu.memory_space<vmem>>
      %dma_wait3A_641 = arith.constant 0 : i32
      %dma_wait3A_642 = arith.constant 0 : i32
      %dma_wait3A_643 = tpu.memref_slice %arg2[%dma_wait3A_641, %dma_wait3A_642] : memref<1000000x32xf32, #tpu.memory_space<hbm>> -> memref<1000000x32xf32, #tpu.memory_space<hbm>>
      %dma_wait3A_644 = tpu.memref_slice %arg7[%dma_wait3A_630] : memref<2x!tpu.dma_semaphore, #tpu.memory_space<semaphore_mem>> -> memref<1x!tpu.dma_semaphore, #tpu.memory_space<semaphore_mem>>
      %dma_wait3A_645 = tpu.memref_squeeze %dma_wait3A_644 : memref<1x!tpu.dma_semaphore, #tpu.memory_space<semaphore_mem>> -> memref<!tpu.dma_semaphore, #tpu.memory_space<semaphore_mem>>
      tpu.wait_indirect_dma semaphore(%dma_wait3A_645 : memref<!tpu.dma_semaphore, #tpu.memory_space<semaphore_mem>>) src(%dma_wait3A_643 : memref<1000000x32xf32, #tpu.memory_space<hbm>>) dst(%dma_wait3A_637 : memref<128x32xf32, #tpu.memory_space<vmem>>)
      %dma_wait3A_646 = arith.constant 0 : i32
      %dma_wait3A_647 = arith.constant 1 : i32
      %dma_wait3A_648 = arith.constant 1 : i32
      %dma_wait3A_649 = arith.constant 0 : i32
      %dma_wait3A_650 = arith.constant 0 : i32
      %dma_wait3A_651 = tpu.memref_slice %arg6[%dma_wait3A_647, %dma_wait3A_649, %dma_wait3A_650] : memref<2x1280x32xf32, #tpu.memory_space<vmem>> -> memref<1x1280x32xf32, #tpu.memory_space<vmem>>
      %dma_wait3A_652 = tpu.memref_squeeze %dma_wait3A_651 : memref<1x1280x32xf32, #tpu.memory_space<vmem>> -> memref<1280x32xf32, #tpu.memory_space<vmem>>
      %dma_wait3A_653 = arith.constant 512 : i32
      %dma_wait3A_654 = arith.constant 0 : i32
      %dma_wait3A_655 = tpu.memref_slice %dma_wait3A_652[%dma_wait3A_653, %dma_wait3A_654] : memref<1280x32xf32, #tpu.memory_space<vmem>> -> memref<128x32xf32, #tpu.memory_space<vmem>>
      %dma_wait3A_656 = arith.constant 0 : i32
      %dma_wait3A_657 = tpu.memref_slice %arg5[%dma_wait3A_646, %dma_wait3A_656] : memref<200x128xi32, #tpu.memory_space<vmem>> -> memref<1x128xi32, #tpu.memory_space<vmem>>
      %dma_wait3A_658 = tpu.memref_squeeze %dma_wait3A_657 : memref<1x128xi32, #tpu.memory_space<vmem>> -> memref<128xi32, #tpu.memory_space<vmem>>
      %dma_wait3A_659 = arith.constant 0 : i32
      %dma_wait3A_660 = arith.constant 0 : i32
      %dma_wait3A_661 = tpu.memref_slice %arg2[%dma_wait3A_659, %dma_wait3A_660] : memref<1000000x32xf32, #tpu.memory_space<hbm>> -> memref<1000000x32xf32, #tpu.memory_space<hbm>>
      %dma_wait3A_662 = tpu.memref_slice %arg7[%dma_wait3A_648] : memref<2x!tpu.dma_semaphore, #tpu.memory_space<semaphore_mem>> -> memref<1x!tpu.dma_semaphore, #tpu.memory_space<semaphore_mem>>
      %dma_wait3A_663 = tpu.memref_squeeze %dma_wait3A_662 : memref<1x!tpu.dma_semaphore, #tpu.memory_space<semaphore_mem>> -> memref<!tpu.dma_semaphore, #tpu.memory_space<semaphore_mem>>
      tpu.wait_indirect_dma semaphore(%dma_wait3A_663 : memref<!tpu.dma_semaphore, #tpu.memory_space<semaphore_mem>>) src(%dma_wait3A_661 : memref<1000000x32xf32, #tpu.memory_space<hbm>>) dst(%dma_wait3A_655 : memref<128x32xf32, #tpu.memory_space<vmem>>)
      %dma_wait3A_664 = arith.constant 0 : i32
      %dma_wait3A_665 = arith.constant 1 : i32
      %dma_wait3A_666 = arith.constant 1 : i32
      %dma_wait3A_667 = arith.constant 0 : i32
      %dma_wait3A_668 = arith.constant 0 : i32
      %dma_wait3A_669 = tpu.memref_slice %arg6[%dma_wait3A_665, %dma_wait3A_667, %dma_wait3A_668] : memref<2x1280x32xf32, #tpu.memory_space<vmem>> -> memref<1x1280x32xf32, #tpu.memory_space<vmem>>
      %dma_wait3A_670 = tpu.memref_squeeze %dma_wait3A_669 : memref<1x1280x32xf32, #tpu.memory_space<vmem>> -> memref<1280x32xf32, #tpu.memory_space<vmem>>
      %dma_wait3A_671 = arith.constant 640 : i32
      %dma_wait3A_672 = arith.constant 0 : i32
      %dma_wait3A_673 = tpu.memref_slice %dma_wait3A_670[%dma_wait3A_671, %dma_wait3A_672] : memref<1280x32xf32, #tpu.memory_space<vmem>> -> memref<128x32xf32, #tpu.memory_space<vmem>>
      %dma_wait3A_674 = arith.constant 0 : i32
      %dma_wait3A_675 = tpu.memref_slice %arg5[%dma_wait3A_664, %dma_wait3A_674] : memref<200x128xi32, #tpu.memory_space<vmem>> -> memref<1x128xi32, #tpu.memory_space<vmem>>
      %dma_wait3A_676 = tpu.memref_squeeze %dma_wait3A_675 : memref<1x128xi32, #tpu.memory_space<vmem>> -> memref<128xi32, #tpu.memory_space<vmem>>
      %dma_wait3A_677 = arith.constant 0 : i32
      %dma_wait3A_678 = arith.constant 0 : i32
      %dma_wait3A_679 = tpu.memref_slice %arg2[%dma_wait3A_677, %dma_wait3A_678] : memref<1000000x32xf32, #tpu.memory_space<hbm>> -> memref<1000000x32xf32, #tpu.memory_space<hbm>>
      %dma_wait3A_680 = tpu.memref_slice %arg7[%dma_wait3A_666] : memref<2x!tpu.dma_semaphore, #tpu.memory_space<semaphore_mem>> -> memref<1x!tpu.dma_semaphore, #tpu.memory_space<semaphore_mem>>
      %dma_wait3A_681 = tpu.memref_squeeze %dma_wait3A_680 : memref<1x!tpu.dma_semaphore, #tpu.memory_space<semaphore_mem>> -> memref<!tpu.dma_semaphore, #tpu.memory_space<semaphore_mem>>
      tpu.wait_indirect_dma semaphore(%dma_wait3A_681 : memref<!tpu.dma_semaphore, #tpu.memory_space<semaphore_mem>>) src(%dma_wait3A_679 : memref<1000000x32xf32, #tpu.memory_space<hbm>>) dst(%dma_wait3A_673 : memref<128x32xf32, #tpu.memory_space<vmem>>)
      %dma_wait3A_682 = arith.constant 0 : i32
      %dma_wait3A_683 = arith.constant 1 : i32
      %dma_wait3A_684 = arith.constant 1 : i32
      %dma_wait3A_685 = arith.constant 0 : i32
      %dma_wait3A_686 = arith.constant 0 : i32
      %dma_wait3A_687 = tpu.memref_slice %arg6[%dma_wait3A_683, %dma_wait3A_685, %dma_wait3A_686] : memref<2x1280x32xf32, #tpu.memory_space<vmem>> -> memref<1x1280x32xf32, #tpu.memory_space<vmem>>
      %dma_wait3A_688 = tpu.memref_squeeze %dma_wait3A_687 : memref<1x1280x32xf32, #tpu.memory_space<vmem>> -> memref<1280x32xf32, #tpu.memory_space<vmem>>
      %dma_wait3A_689 = arith.constant 768 : i32
      %dma_wait3A_690 = arith.constant 0 : i32
      %dma_wait3A_691 = tpu.memref_slice %dma_wait3A_688[%dma_wait3A_689, %dma_wait3A_690] : memref<1280x32xf32, #tpu.memory_space<vmem>> -> memref<128x32xf32, #tpu.memory_space<vmem>>
      %dma_wait3A_692 = arith.constant 0 : i32
      %dma_wait3A_693 = tpu.memref_slice %arg5[%dma_wait3A_682, %dma_wait3A_692] : memref<200x128xi32, #tpu.memory_space<vmem>> -> memref<1x128xi32, #tpu.memory_space<vmem>>
      %dma_wait3A_694 = tpu.memref_squeeze %dma_wait3A_693 : memref<1x128xi32, #tpu.memory_space<vmem>> -> memref<128xi32, #tpu.memory_space<vmem>>
      %dma_wait3A_695 = arith.constant 0 : i32
      %dma_wait3A_696 = arith.constant 0 : i32
      %dma_wait3A_697 = tpu.memref_slice %arg2[%dma_wait3A_695, %dma_wait3A_696] : memref<1000000x32xf32, #tpu.memory_space<hbm>> -> memref<1000000x32xf32, #tpu.memory_space<hbm>>
      %dma_wait3A_698 = tpu.memref_slice %arg7[%dma_wait3A_684] : memref<2x!tpu.dma_semaphore, #tpu.memory_space<semaphore_mem>> -> memref<1x!tpu.dma_semaphore, #tpu.memory_space<semaphore_mem>>
      %dma_wait3A_699 = tpu.memref_squeeze %dma_wait3A_698 : memref<1x!tpu.dma_semaphore, #tpu.memory_space<semaphore_mem>> -> memref<!tpu.dma_semaphore, #tpu.memory_space<semaphore_mem>>
      tpu.wait_indirect_dma semaphore(%dma_wait3A_699 : memref<!tpu.dma_semaphore, #tpu.memory_space<semaphore_mem>>) src(%dma_wait3A_697 : memref<1000000x32xf32, #tpu.memory_space<hbm>>) dst(%dma_wait3A_691 : memref<128x32xf32, #tpu.memory_space<vmem>>)
      %dma_wait3A_700 = arith.constant 0 : i32
      %dma_wait3A_701 = arith.constant 1 : i32
      %dma_wait3A_702 = arith.constant 1 : i32
      %dma_wait3A_703 = arith.constant 0 : i32
      %dma_wait3A_704 = arith.constant 0 : i32
      %dma_wait3A_705 = tpu.memref_slice %arg6[%dma_wait3A_701, %dma_wait3A_703, %dma_wait3A_704] : memref<2x1280x32xf32, #tpu.memory_space<vmem>> -> memref<1x1280x32xf32, #tpu.memory_space<vmem>>
      %dma_wait3A_706 = tpu.memref_squeeze %dma_wait3A_705 : memref<1x1280x32xf32, #tpu.memory_space<vmem>> -> memref<1280x32xf32, #tpu.memory_space<vmem>>
      %dma_wait3A_707 = arith.constant 896 : i32
      %dma_wait3A_708 = arith.constant 0 : i32
      %dma_wait3A_709 = tpu.memref_slice %dma_wait3A_706[%dma_wait3A_707, %dma_wait3A_708] : memref<1280x32xf32, #tpu.memory_space<vmem>> -> memref<128x32xf32, #tpu.memory_space<vmem>>
      %dma_wait3A_710 = arith.constant 0 : i32
      %dma_wait3A_711 = tpu.memref_slice %arg5[%dma_wait3A_700, %dma_wait3A_710] : memref<200x128xi32, #tpu.memory_space<vmem>> -> memref<1x128xi32, #tpu.memory_space<vmem>>
      %dma_wait3A_712 = tpu.memref_squeeze %dma_wait3A_711 : memref<1x128xi32, #tpu.memory_space<vmem>> -> memref<128xi32, #tpu.memory_space<vmem>>
      %dma_wait3A_713 = arith.constant 0 : i32
      %dma_wait3A_714 = arith.constant 0 : i32
      %dma_wait3A_715 = tpu.memref_slice %arg2[%dma_wait3A_713, %dma_wait3A_714] : memref<1000000x32xf32, #tpu.memory_space<hbm>> -> memref<1000000x32xf32, #tpu.memory_space<hbm>>
      %dma_wait3A_716 = tpu.memref_slice %arg7[%dma_wait3A_702] : memref<2x!tpu.dma_semaphore, #tpu.memory_space<semaphore_mem>> -> memref<1x!tpu.dma_semaphore, #tpu.memory_space<semaphore_mem>>
      %dma_wait3A_717 = tpu.memref_squeeze %dma_wait3A_716 : memref<1x!tpu.dma_semaphore, #tpu.memory_space<semaphore_mem>> -> memref<!tpu.dma_semaphore, #tpu.memory_space<semaphore_mem>>
      tpu.wait_indirect_dma semaphore(%dma_wait3A_717 : memref<!tpu.dma_semaphore, #tpu.memory_space<semaphore_mem>>) src(%dma_wait3A_715 : memref<1000000x32xf32, #tpu.memory_space<hbm>>) dst(%dma_wait3A_709 : memref<128x32xf32, #tpu.memory_space<vmem>>)
      %dma_wait3A_718 = arith.constant 0 : i32
      %dma_wait3A_719 = arith.constant 1 : i32
      %dma_wait3A_720 = arith.constant 1 : i32
      %dma_wait3A_721 = arith.constant 0 : i32
      %dma_wait3A_722 = arith.constant 0 : i32
      %dma_wait3A_723 = tpu.memref_slice %arg6[%dma_wait3A_719, %dma_wait3A_721, %dma_wait3A_722] : memref<2x1280x32xf32, #tpu.memory_space<vmem>> -> memref<1x1280x32xf32, #tpu.memory_space<vmem>>
      %dma_wait3A_724 = tpu.memref_squeeze %dma_wait3A_723 : memref<1x1280x32xf32, #tpu.memory_space<vmem>> -> memref<1280x32xf32, #tpu.memory_space<vmem>>
      %dma_wait3A_725 = arith.constant 1024 : i32
      %dma_wait3A_726 = arith.constant 0 : i32
      %dma_wait3A_727 = tpu.memref_slice %dma_wait3A_724[%dma_wait3A_725, %dma_wait3A_726] : memref<1280x32xf32, #tpu.memory_space<vmem>> -> memref<128x32xf32, #tpu.memory_space<vmem>>
      %dma_wait3A_728 = arith.constant 0 : i32
      %dma_wait3A_729 = tpu.memref_slice %arg5[%dma_wait3A_718, %dma_wait3A_728] : memref<200x128xi32, #tpu.memory_space<vmem>> -> memref<1x128xi32, #tpu.memory_space<vmem>>
      %dma_wait3A_730 = tpu.memref_squeeze %dma_wait3A_729 : memref<1x128xi32, #tpu.memory_space<vmem>> -> memref<128xi32, #tpu.memory_space<vmem>>
      %dma_wait3A_731 = arith.constant 0 : i32
      %dma_wait3A_732 = arith.constant 0 : i32
      %dma_wait3A_733 = tpu.memref_slice %arg2[%dma_wait3A_731, %dma_wait3A_732] : memref<1000000x32xf32, #tpu.memory_space<hbm>> -> memref<1000000x32xf32, #tpu.memory_space<hbm>>
      %dma_wait3A_734 = tpu.memref_slice %arg7[%dma_wait3A_720] : memref<2x!tpu.dma_semaphore, #tpu.memory_space<semaphore_mem>> -> memref<1x!tpu.dma_semaphore, #tpu.memory_space<semaphore_mem>>
      %dma_wait3A_735 = tpu.memref_squeeze %dma_wait3A_734 : memref<1x!tpu.dma_semaphore, #tpu.memory_space<semaphore_mem>> -> memref<!tpu.dma_semaphore, #tpu.memory_space<semaphore_mem>>
      tpu.wait_indirect_dma semaphore(%dma_wait3A_735 : memref<!tpu.dma_semaphore, #tpu.memory_space<semaphore_mem>>) src(%dma_wait3A_733 : memref<1000000x32xf32, #tpu.memory_space<hbm>>) dst(%dma_wait3A_727 : memref<128x32xf32, #tpu.memory_space<vmem>>)
      %dma_wait3A_736 = arith.constant 0 : i32
      %dma_wait3A_737 = arith.constant 1 : i32
      %dma_wait3A_738 = arith.constant 1 : i32
      %dma_wait3A_739 = arith.constant 0 : i32
      %dma_wait3A_740 = arith.constant 0 : i32
      %dma_wait3A_741 = tpu.memref_slice %arg6[%dma_wait3A_737, %dma_wait3A_739, %dma_wait3A_740] : memref<2x1280x32xf32, #tpu.memory_space<vmem>> -> memref<1x1280x32xf32, #tpu.memory_space<vmem>>
      %dma_wait3A_742 = tpu.memref_squeeze %dma_wait3A_741 : memref<1x1280x32xf32, #tpu.memory_space<vmem>> -> memref<1280x32xf32, #tpu.memory_space<vmem>>
      %dma_wait3A_743 = arith.constant 1152 : i32
      %dma_wait3A_744 = arith.constant 0 : i32
      %dma_wait3A_745 = tpu.memref_slice %dma_wait3A_742[%dma_wait3A_743, %dma_wait3A_744] : memref<1280x32xf32, #tpu.memory_space<vmem>> -> memref<128x32xf32, #tpu.memory_space<vmem>>
      %dma_wait3A_746 = arith.constant 0 : i32
      %dma_wait3A_747 = tpu.memref_slice %arg5[%dma_wait3A_736, %dma_wait3A_746] : memref<200x128xi32, #tpu.memory_space<vmem>> -> memref<1x128xi32, #tpu.memory_space<vmem>>
      %dma_wait3A_748 = tpu.memref_squeeze %dma_wait3A_747 : memref<1x128xi32, #tpu.memory_space<vmem>> -> memref<128xi32, #tpu.memory_space<vmem>>
      %dma_wait3A_749 = arith.constant 0 : i32
      %dma_wait3A_750 = arith.constant 0 : i32
      %dma_wait3A_751 = tpu.memref_slice %arg2[%dma_wait3A_749, %dma_wait3A_750] : memref<1000000x32xf32, #tpu.memory_space<hbm>> -> memref<1000000x32xf32, #tpu.memory_space<hbm>>
      %dma_wait3A_752 = tpu.memref_slice %arg7[%dma_wait3A_738] : memref<2x!tpu.dma_semaphore, #tpu.memory_space<semaphore_mem>> -> memref<1x!tpu.dma_semaphore, #tpu.memory_space<semaphore_mem>>
      %dma_wait3A_753 = tpu.memref_squeeze %dma_wait3A_752 : memref<1x!tpu.dma_semaphore, #tpu.memory_space<semaphore_mem>> -> memref<!tpu.dma_semaphore, #tpu.memory_space<semaphore_mem>>
      tpu.wait_indirect_dma semaphore(%dma_wait3A_753 : memref<!tpu.dma_semaphore, #tpu.memory_space<semaphore_mem>>) src(%dma_wait3A_751 : memref<1000000x32xf32, #tpu.memory_space<hbm>>) dst(%dma_wait3A_745 : memref<128x32xf32, #tpu.memory_space<vmem>>)
      %mul3A_754 = arith.constant 1280 : i32
      %mul3A_755 = arith.muli %add3A_573, %mul3A_754 : i32
      %add3A_756 = arith.addi %mul3A_2, %mul3A_755 : i32
      %dma_start3A_757 = arith.constant 1 : i32
      %dma_start3A_758 = arith.constant 1 : i32
      %dma_start3A_759 = arith.constant 0 : i32
      %dma_start3A_760 = arith.constant 0 : i32
      %dma_start3A_761 = tpu.memref_slice %arg6[%dma_start3A_757, %dma_start3A_759, %dma_start3A_760] : memref<2x1280x32xf32, #tpu.memory_space<vmem>> -> memref<1x1280x32xf32, #tpu.memory_space<vmem>>
      %dma_start3A_762 = tpu.memref_squeeze %dma_start3A_761 : memref<1x1280x32xf32, #tpu.memory_space<vmem>> -> memref<1280x32xf32, #tpu.memory_space<vmem>>
      %dma_start3A_763 = arith.constant 0 : i32
      %dma_start3A_764 = tpu.memref_slice %arg4[%add3A_756, %dma_start3A_763] : memref<819200x32xf32, #tpu.memory_space<hbm>> -> memref<1280x32xf32, #tpu.memory_space<hbm>>
      %dma_start3A_765 = tpu.memref_slice %arg8[%dma_start3A_758] : memref<2x!tpu.dma_semaphore, #tpu.memory_space<semaphore_mem>> -> memref<1x!tpu.dma_semaphore, #tpu.memory_space<semaphore_mem>>
      %dma_start3A_766 = tpu.memref_squeeze %dma_start3A_765 : memref<1x!tpu.dma_semaphore, #tpu.memory_space<semaphore_mem>> -> memref<!tpu.dma_semaphore, #tpu.memory_space<semaphore_mem>>
      %dma_start3A_767 = arith.constant 0 : i32
      %dma_start3A_768 = tpu.memref_slice %arg4[%add3A_756, %dma_start3A_767] : memref<819200x32xf32, #tpu.memory_space<hbm>> -> memref<1280x32xf32, #tpu.memory_space<hbm>>
      %dma_start3A_769 = arith.constant 0 : i32
      %dma_start3A_770 = arith.constant 0 : i32
      %dma_start3A_771 = tpu.memref_slice %arg6[%dma_start3A_757, %dma_start3A_769, %dma_start3A_770] : memref<2x1280x32xf32, #tpu.memory_space<vmem>> -> memref<1x1280x32xf32, #tpu.memory_space<vmem>>
      %dma_start3A_772 = tpu.memref_squeeze %dma_start3A_771 : memref<1x1280x32xf32, #tpu.memory_space<vmem>> -> memref<1280x32xf32, #tpu.memory_space<vmem>>
      tpu.enqueue_dma source(%dma_start3A_772 : memref<1280x32xf32, #tpu.memory_space<vmem>>) target(%dma_start3A_768 : memref<1280x32xf32, #tpu.memory_space<hbm>>) target_semaphore(%dma_start3A_766 : memref<!tpu.dma_semaphore, #tpu.memory_space<semaphore_mem>>)
      %add3A_773 = arith.constant 0 : i32
      %add3A_774 = arith.addi %mul3A_371, %add3A_773 : i32
      %dma_wait3A_775 = arith.constant 0 : i32
      %dma_wait3A_776 = arith.constant 0 : i32
      %dma_wait3A_777 = arith.constant 0 : i32
      %dma_wait3A_778 = arith.constant 0 : i32
      %dma_wait3A_779 = tpu.memref_slice %arg6[%dma_wait3A_775, %dma_wait3A_777, %dma_wait3A_778] : memref<2x1280x32xf32, #tpu.memory_space<vmem>> -> memref<1x1280x32xf32, #tpu.memory_space<vmem>>
      %dma_wait3A_780 = tpu.memref_squeeze %dma_wait3A_779 : memref<1x1280x32xf32, #tpu.memory_space<vmem>> -> memref<1280x32xf32, #tpu.memory_space<vmem>>
      %dma_wait3A_781 = arith.constant 0 : i32
      %dma_wait3A_782 = tpu.memref_slice %arg4[%mul3A_2, %dma_wait3A_781] : memref<819200x32xf32, #tpu.memory_space<hbm>> -> memref<1280x32xf32, #tpu.memory_space<hbm>>
      %dma_wait3A_783 = tpu.memref_slice %arg8[%dma_wait3A_776] : memref<2x!tpu.dma_semaphore, #tpu.memory_space<semaphore_mem>> -> memref<1x!tpu.dma_semaphore, #tpu.memory_space<semaphore_mem>>
      %dma_wait3A_784 = tpu.memref_squeeze %dma_wait3A_783 : memref<1x!tpu.dma_semaphore, #tpu.memory_space<semaphore_mem>> -> memref<!tpu.dma_semaphore, #tpu.memory_space<semaphore_mem>>
      %dma_wait3A_785 = arith.constant 0 : i32
      %dma_wait3A_786 = tpu.memref_slice %arg4[%mul3A_2, %dma_wait3A_785] : memref<819200x32xf32, #tpu.memory_space<hbm>> -> memref<1280x32xf32, #tpu.memory_space<hbm>>
      %dma_wait3A_787 = arith.constant 0 : i32
      %dma_wait3A_788 = arith.constant 0 : i32
      %dma_wait3A_789 = tpu.memref_slice %arg6[%dma_wait3A_775, %dma_wait3A_787, %dma_wait3A_788] : memref<2x1280x32xf32, #tpu.memory_space<vmem>> -> memref<1x1280x32xf32, #tpu.memory_space<vmem>>
      %dma_wait3A_790 = tpu.memref_squeeze %dma_wait3A_789 : memref<1x1280x32xf32, #tpu.memory_space<vmem>> -> memref<1280x32xf32, #tpu.memory_space<vmem>>
      tpu.wait_dma2 semaphore(%dma_wait3A_784 : memref<!tpu.dma_semaphore, #tpu.memory_space<semaphore_mem>>) src(%dma_wait3A_790 : memref<1280x32xf32, #tpu.memory_space<vmem>>) dst(%dma_wait3A_786 : memref<1280x32xf32, #tpu.memory_space<hbm>>)
      %add3A_791 = arith.constant 2 : i32
      %add3A_792 = arith.addi %add3A_774, %add3A_791 : i32
      %lt3A = arith.constant 20 : i32
      %lt3A_793 = arith.cmpi slt, %add3A_792, %lt3A : i32
      %convert_element_type3A = arith.extui %lt3A_793 : i1 to i32
      %cond3A = arith.constant 0 : i32
      %cond3A_794 = arith.cmpi ne, %convert_element_type3A, %cond3A : i32
      scf.if %cond3A_794 {
        %add3A_821 = arith.constant 2 : i32
        %add3A_822 = arith.addi %add3A_774, %add3A_821 : i32
        %mul3A_823 = arith.constant 10 : i32
        %mul3A_824 = arith.muli %add3A_822, %mul3A_823 : i32
        %add3A_825 = arith.constant 0 : i32
        %add3A_826 = arith.addi %mul3A_824, %add3A_825 : i32
        %dma_start3A_827 = arith.constant 0 : i32
        %dma_start3A_828 = arith.constant 0 : i32
        %dma_start3A_829 = arith.constant 0 : i32
        %dma_start3A_830 = arith.constant 0 : i32
        %dma_start3A_831 = tpu.memref_slice %arg6[%dma_start3A_827, %dma_start3A_829, %dma_start3A_830] : memref<2x1280x32xf32, #tpu.memory_space<vmem>> -> memref<1x1280x32xf32, #tpu.memory_space<vmem>>
        %dma_start3A_832 = tpu.memref_squeeze %dma_start3A_831 : memref<1x1280x32xf32, #tpu.memory_space<vmem>> -> memref<1280x32xf32, #tpu.memory_space<vmem>>
        %dma_start3A_833 = arith.constant 0 : i32
        %dma_start3A_834 = arith.constant 0 : i32
        %dma_start3A_835 = tpu.memref_slice %dma_start3A_832[%dma_start3A_833, %dma_start3A_834] : memref<1280x32xf32, #tpu.memory_space<vmem>> -> memref<128x32xf32, #tpu.memory_space<vmem>>
        %dma_start3A_836 = arith.constant 0 : i32
        %dma_start3A_837 = tpu.memref_slice %arg5[%add3A_826, %dma_start3A_836] : memref<200x128xi32, #tpu.memory_space<vmem>> -> memref<1x128xi32, #tpu.memory_space<vmem>>
        %dma_start3A_838 = tpu.memref_squeeze %dma_start3A_837 : memref<1x128xi32, #tpu.memory_space<vmem>> -> memref<128xi32, #tpu.memory_space<vmem>>
        %dma_start3A_839 = arith.constant 0 : i32
        %dma_start3A_840 = arith.constant 0 : i32
        %dma_start3A_841 = tpu.memref_slice %arg2[%dma_start3A_839, %dma_start3A_840] : memref<1000000x32xf32, #tpu.memory_space<hbm>> -> memref<1000000x32xf32, #tpu.memory_space<hbm>>
        %dma_start3A_842 = tpu.memref_slice %arg7[%dma_start3A_828] : memref<2x!tpu.dma_semaphore, #tpu.memory_space<semaphore_mem>> -> memref<1x!tpu.dma_semaphore, #tpu.memory_space<semaphore_mem>>
        %dma_start3A_843 = tpu.memref_squeeze %dma_start3A_842 : memref<1x!tpu.dma_semaphore, #tpu.memory_space<semaphore_mem>> -> memref<!tpu.dma_semaphore, #tpu.memory_space<semaphore_mem>>
        tpu.enqueue_indirect_dma source(%dma_start3A_841 : memref<1000000x32xf32, #tpu.memory_space<hbm>>) target(%dma_start3A_835 : memref<128x32xf32, #tpu.memory_space<vmem>>) offsets(%dma_start3A_838 : memref<128xi32, #tpu.memory_space<vmem>>) semaphore(%dma_start3A_843 : memref<!tpu.dma_semaphore, #tpu.memory_space<semaphore_mem>>)
        %mul3A_844 = arith.constant 10 : i32
        %mul3A_845 = arith.muli %add3A_822, %mul3A_844 : i32
        %add3A_846 = arith.constant 1 : i32
        %add3A_847 = arith.addi %mul3A_845, %add3A_846 : i32
        %dma_start3A_848 = arith.constant 0 : i32
        %dma_start3A_849 = arith.constant 0 : i32
        %dma_start3A_850 = arith.constant 0 : i32
        %dma_start3A_851 = arith.constant 0 : i32
        %dma_start3A_852 = tpu.memref_slice %arg6[%dma_start3A_848, %dma_start3A_850, %dma_start3A_851] : memref<2x1280x32xf32, #tpu.memory_space<vmem>> -> memref<1x1280x32xf32, #tpu.memory_space<vmem>>
        %dma_start3A_853 = tpu.memref_squeeze %dma_start3A_852 : memref<1x1280x32xf32, #tpu.memory_space<vmem>> -> memref<1280x32xf32, #tpu.memory_space<vmem>>
        %dma_start3A_854 = arith.constant 128 : i32
        %dma_start3A_855 = arith.constant 0 : i32
        %dma_start3A_856 = tpu.memref_slice %dma_start3A_853[%dma_start3A_854, %dma_start3A_855] : memref<1280x32xf32, #tpu.memory_space<vmem>> -> memref<128x32xf32, #tpu.memory_space<vmem>>
        %dma_start3A_857 = arith.constant 0 : i32
        %dma_start3A_858 = tpu.memref_slice %arg5[%add3A_847, %dma_start3A_857] : memref<200x128xi32, #tpu.memory_space<vmem>> -> memref<1x128xi32, #tpu.memory_space<vmem>>
        %dma_start3A_859 = tpu.memref_squeeze %dma_start3A_858 : memref<1x128xi32, #tpu.memory_space<vmem>> -> memref<128xi32, #tpu.memory_space<vmem>>
        %dma_start3A_860 = arith.constant 0 : i32
        %dma_start3A_861 = arith.constant 0 : i32
        %dma_start3A_862 = tpu.memref_slice %arg2[%dma_start3A_860, %dma_start3A_861] : memref<1000000x32xf32, #tpu.memory_space<hbm>> -> memref<1000000x32xf32, #tpu.memory_space<hbm>>
        %dma_start3A_863 = tpu.memref_slice %arg7[%dma_start3A_849] : memref<2x!tpu.dma_semaphore, #tpu.memory_space<semaphore_mem>> -> memref<1x!tpu.dma_semaphore, #tpu.memory_space<semaphore_mem>>
        %dma_start3A_864 = tpu.memref_squeeze %dma_start3A_863 : memref<1x!tpu.dma_semaphore, #tpu.memory_space<semaphore_mem>> -> memref<!tpu.dma_semaphore, #tpu.memory_space<semaphore_mem>>
        tpu.enqueue_indirect_dma source(%dma_start3A_862 : memref<1000000x32xf32, #tpu.memory_space<hbm>>) target(%dma_start3A_856 : memref<128x32xf32, #tpu.memory_space<vmem>>) offsets(%dma_start3A_859 : memref<128xi32, #tpu.memory_space<vmem>>) semaphore(%dma_start3A_864 : memref<!tpu.dma_semaphore, #tpu.memory_space<semaphore_mem>>)
        %mul3A_865 = arith.constant 10 : i32
        %mul3A_866 = arith.muli %add3A_822, %mul3A_865 : i32
        %add3A_867 = arith.constant 2 : i32
        %add3A_868 = arith.addi %mul3A_866, %add3A_867 : i32
        %dma_start3A_869 = arith.constant 0 : i32
        %dma_start3A_870 = arith.constant 0 : i32
        %dma_start3A_871 = arith.constant 0 : i32
        %dma_start3A_872 = arith.constant 0 : i32
        %dma_start3A_873 = tpu.memref_slice %arg6[%dma_start3A_869, %dma_start3A_871, %dma_start3A_872] : memref<2x1280x32xf32, #tpu.memory_space<vmem>> -> memref<1x1280x32xf32, #tpu.memory_space<vmem>>
        %dma_start3A_874 = tpu.memref_squeeze %dma_start3A_873 : memref<1x1280x32xf32, #tpu.memory_space<vmem>> -> memref<1280x32xf32, #tpu.memory_space<vmem>>
        %dma_start3A_875 = arith.constant 256 : i32
        %dma_start3A_876 = arith.constant 0 : i32
        %dma_start3A_877 = tpu.memref_slice %dma_start3A_874[%dma_start3A_875, %dma_start3A_876] : memref<1280x32xf32, #tpu.memory_space<vmem>> -> memref<128x32xf32, #tpu.memory_space<vmem>>
        %dma_start3A_878 = arith.constant 0 : i32
        %dma_start3A_879 = tpu.memref_slice %arg5[%add3A_868, %dma_start3A_878] : memref<200x128xi32, #tpu.memory_space<vmem>> -> memref<1x128xi32, #tpu.memory_space<vmem>>
        %dma_start3A_880 = tpu.memref_squeeze %dma_start3A_879 : memref<1x128xi32, #tpu.memory_space<vmem>> -> memref<128xi32, #tpu.memory_space<vmem>>
        %dma_start3A_881 = arith.constant 0 : i32
        %dma_start3A_882 = arith.constant 0 : i32
        %dma_start3A_883 = tpu.memref_slice %arg2[%dma_start3A_881, %dma_start3A_882] : memref<1000000x32xf32, #tpu.memory_space<hbm>> -> memref<1000000x32xf32, #tpu.memory_space<hbm>>
        %dma_start3A_884 = tpu.memref_slice %arg7[%dma_start3A_870] : memref<2x!tpu.dma_semaphore, #tpu.memory_space<semaphore_mem>> -> memref<1x!tpu.dma_semaphore, #tpu.memory_space<semaphore_mem>>
        %dma_start3A_885 = tpu.memref_squeeze %dma_start3A_884 : memref<1x!tpu.dma_semaphore, #tpu.memory_space<semaphore_mem>> -> memref<!tpu.dma_semaphore, #tpu.memory_space<semaphore_mem>>
        tpu.enqueue_indirect_dma source(%dma_start3A_883 : memref<1000000x32xf32, #tpu.memory_space<hbm>>) target(%dma_start3A_877 : memref<128x32xf32, #tpu.memory_space<vmem>>) offsets(%dma_start3A_880 : memref<128xi32, #tpu.memory_space<vmem>>) semaphore(%dma_start3A_885 : memref<!tpu.dma_semaphore, #tpu.memory_space<semaphore_mem>>)
        %mul3A_886 = arith.constant 10 : i32
        %mul3A_887 = arith.muli %add3A_822, %mul3A_886 : i32
        %add3A_888 = arith.constant 3 : i32
        %add3A_889 = arith.addi %mul3A_887, %add3A_888 : i32
        %dma_start3A_890 = arith.constant 0 : i32
        %dma_start3A_891 = arith.constant 0 : i32
        %dma_start3A_892 = arith.constant 0 : i32
        %dma_start3A_893 = arith.constant 0 : i32
        %dma_start3A_894 = tpu.memref_slice %arg6[%dma_start3A_890, %dma_start3A_892, %dma_start3A_893] : memref<2x1280x32xf32, #tpu.memory_space<vmem>> -> memref<1x1280x32xf32, #tpu.memory_space<vmem>>
        %dma_start3A_895 = tpu.memref_squeeze %dma_start3A_894 : memref<1x1280x32xf32, #tpu.memory_space<vmem>> -> memref<1280x32xf32, #tpu.memory_space<vmem>>
        %dma_start3A_896 = arith.constant 384 : i32
        %dma_start3A_897 = arith.constant 0 : i32
        %dma_start3A_898 = tpu.memref_slice %dma_start3A_895[%dma_start3A_896, %dma_start3A_897] : memref<1280x32xf32, #tpu.memory_space<vmem>> -> memref<128x32xf32, #tpu.memory_space<vmem>>
        %dma_start3A_899 = arith.constant 0 : i32
        %dma_start3A_900 = tpu.memref_slice %arg5[%add3A_889, %dma_start3A_899] : memref<200x128xi32, #tpu.memory_space<vmem>> -> memref<1x128xi32, #tpu.memory_space<vmem>>
        %dma_start3A_901 = tpu.memref_squeeze %dma_start3A_900 : memref<1x128xi32, #tpu.memory_space<vmem>> -> memref<128xi32, #tpu.memory_space<vmem>>
        %dma_start3A_902 = arith.constant 0 : i32
        %dma_start3A_903 = arith.constant 0 : i32
        %dma_start3A_904 = tpu.memref_slice %arg2[%dma_start3A_902, %dma_start3A_903] : memref<1000000x32xf32, #tpu.memory_space<hbm>> -> memref<1000000x32xf32, #tpu.memory_space<hbm>>
        %dma_start3A_905 = tpu.memref_slice %arg7[%dma_start3A_891] : memref<2x!tpu.dma_semaphore, #tpu.memory_space<semaphore_mem>> -> memref<1x!tpu.dma_semaphore, #tpu.memory_space<semaphore_mem>>
        %dma_start3A_906 = tpu.memref_squeeze %dma_start3A_905 : memref<1x!tpu.dma_semaphore, #tpu.memory_space<semaphore_mem>> -> memref<!tpu.dma_semaphore, #tpu.memory_space<semaphore_mem>>
        tpu.enqueue_indirect_dma source(%dma_start3A_904 : memref<1000000x32xf32, #tpu.memory_space<hbm>>) target(%dma_start3A_898 : memref<128x32xf32, #tpu.memory_space<vmem>>) offsets(%dma_start3A_901 : memref<128xi32, #tpu.memory_space<vmem>>) semaphore(%dma_start3A_906 : memref<!tpu.dma_semaphore, #tpu.memory_space<semaphore_mem>>)
        %mul3A_907 = arith.constant 10 : i32
        %mul3A_908 = arith.muli %add3A_822, %mul3A_907 : i32
        %add3A_909 = arith.constant 4 : i32
        %add3A_910 = arith.addi %mul3A_908, %add3A_909 : i32
        %dma_start3A_911 = arith.constant 0 : i32
        %dma_start3A_912 = arith.constant 0 : i32
        %dma_start3A_913 = arith.constant 0 : i32
        %dma_start3A_914 = arith.constant 0 : i32
        %dma_start3A_915 = tpu.memref_slice %arg6[%dma_start3A_911, %dma_start3A_913, %dma_start3A_914] : memref<2x1280x32xf32, #tpu.memory_space<vmem>> -> memref<1x1280x32xf32, #tpu.memory_space<vmem>>
        %dma_start3A_916 = tpu.memref_squeeze %dma_start3A_915 : memref<1x1280x32xf32, #tpu.memory_space<vmem>> -> memref<1280x32xf32, #tpu.memory_space<vmem>>
        %dma_start3A_917 = arith.constant 512 : i32
        %dma_start3A_918 = arith.constant 0 : i32
        %dma_start3A_919 = tpu.memref_slice %dma_start3A_916[%dma_start3A_917, %dma_start3A_918] : memref<1280x32xf32, #tpu.memory_space<vmem>> -> memref<128x32xf32, #tpu.memory_space<vmem>>
        %dma_start3A_920 = arith.constant 0 : i32
        %dma_start3A_921 = tpu.memref_slice %arg5[%add3A_910, %dma_start3A_920] : memref<200x128xi32, #tpu.memory_space<vmem>> -> memref<1x128xi32, #tpu.memory_space<vmem>>
        %dma_start3A_922 = tpu.memref_squeeze %dma_start3A_921 : memref<1x128xi32, #tpu.memory_space<vmem>> -> memref<128xi32, #tpu.memory_space<vmem>>
        %dma_start3A_923 = arith.constant 0 : i32
        %dma_start3A_924 = arith.constant 0 : i32
        %dma_start3A_925 = tpu.memref_slice %arg2[%dma_start3A_923, %dma_start3A_924] : memref<1000000x32xf32, #tpu.memory_space<hbm>> -> memref<1000000x32xf32, #tpu.memory_space<hbm>>
        %dma_start3A_926 = tpu.memref_slice %arg7[%dma_start3A_912] : memref<2x!tpu.dma_semaphore, #tpu.memory_space<semaphore_mem>> -> memref<1x!tpu.dma_semaphore, #tpu.memory_space<semaphore_mem>>
        %dma_start3A_927 = tpu.memref_squeeze %dma_start3A_926 : memref<1x!tpu.dma_semaphore, #tpu.memory_space<semaphore_mem>> -> memref<!tpu.dma_semaphore, #tpu.memory_space<semaphore_mem>>
        tpu.enqueue_indirect_dma source(%dma_start3A_925 : memref<1000000x32xf32, #tpu.memory_space<hbm>>) target(%dma_start3A_919 : memref<128x32xf32, #tpu.memory_space<vmem>>) offsets(%dma_start3A_922 : memref<128xi32, #tpu.memory_space<vmem>>) semaphore(%dma_start3A_927 : memref<!tpu.dma_semaphore, #tpu.memory_space<semaphore_mem>>)
        %mul3A_928 = arith.constant 10 : i32
        %mul3A_929 = arith.muli %add3A_822, %mul3A_928 : i32
        %add3A_930 = arith.constant 5 : i32
        %add3A_931 = arith.addi %mul3A_929, %add3A_930 : i32
        %dma_start3A_932 = arith.constant 0 : i32
        %dma_start3A_933 = arith.constant 0 : i32
        %dma_start3A_934 = arith.constant 0 : i32
        %dma_start3A_935 = arith.constant 0 : i32
        %dma_start3A_936 = tpu.memref_slice %arg6[%dma_start3A_932, %dma_start3A_934, %dma_start3A_935] : memref<2x1280x32xf32, #tpu.memory_space<vmem>> -> memref<1x1280x32xf32, #tpu.memory_space<vmem>>
        %dma_start3A_937 = tpu.memref_squeeze %dma_start3A_936 : memref<1x1280x32xf32, #tpu.memory_space<vmem>> -> memref<1280x32xf32, #tpu.memory_space<vmem>>
        %dma_start3A_938 = arith.constant 640 : i32
        %dma_start3A_939 = arith.constant 0 : i32
        %dma_start3A_940 = tpu.memref_slice %dma_start3A_937[%dma_start3A_938, %dma_start3A_939] : memref<1280x32xf32, #tpu.memory_space<vmem>> -> memref<128x32xf32, #tpu.memory_space<vmem>>
        %dma_start3A_941 = arith.constant 0 : i32
        %dma_start3A_942 = tpu.memref_slice %arg5[%add3A_931, %dma_start3A_941] : memref<200x128xi32, #tpu.memory_space<vmem>> -> memref<1x128xi32, #tpu.memory_space<vmem>>
        %dma_start3A_943 = tpu.memref_squeeze %dma_start3A_942 : memref<1x128xi32, #tpu.memory_space<vmem>> -> memref<128xi32, #tpu.memory_space<vmem>>
        %dma_start3A_944 = arith.constant 0 : i32
        %dma_start3A_945 = arith.constant 0 : i32
        %dma_start3A_946 = tpu.memref_slice %arg2[%dma_start3A_944, %dma_start3A_945] : memref<1000000x32xf32, #tpu.memory_space<hbm>> -> memref<1000000x32xf32, #tpu.memory_space<hbm>>
        %dma_start3A_947 = tpu.memref_slice %arg7[%dma_start3A_933] : memref<2x!tpu.dma_semaphore, #tpu.memory_space<semaphore_mem>> -> memref<1x!tpu.dma_semaphore, #tpu.memory_space<semaphore_mem>>
        %dma_start3A_948 = tpu.memref_squeeze %dma_start3A_947 : memref<1x!tpu.dma_semaphore, #tpu.memory_space<semaphore_mem>> -> memref<!tpu.dma_semaphore, #tpu.memory_space<semaphore_mem>>
        tpu.enqueue_indirect_dma source(%dma_start3A_946 : memref<1000000x32xf32, #tpu.memory_space<hbm>>) target(%dma_start3A_940 : memref<128x32xf32, #tpu.memory_space<vmem>>) offsets(%dma_start3A_943 : memref<128xi32, #tpu.memory_space<vmem>>) semaphore(%dma_start3A_948 : memref<!tpu.dma_semaphore, #tpu.memory_space<semaphore_mem>>)
        %mul3A_949 = arith.constant 10 : i32
        %mul3A_950 = arith.muli %add3A_822, %mul3A_949 : i32
        %add3A_951 = arith.constant 6 : i32
        %add3A_952 = arith.addi %mul3A_950, %add3A_951 : i32
        %dma_start3A_953 = arith.constant 0 : i32
        %dma_start3A_954 = arith.constant 0 : i32
        %dma_start3A_955 = arith.constant 0 : i32
        %dma_start3A_956 = arith.constant 0 : i32
        %dma_start3A_957 = tpu.memref_slice %arg6[%dma_start3A_953, %dma_start3A_955, %dma_start3A_956] : memref<2x1280x32xf32, #tpu.memory_space<vmem>> -> memref<1x1280x32xf32, #tpu.memory_space<vmem>>
        %dma_start3A_958 = tpu.memref_squeeze %dma_start3A_957 : memref<1x1280x32xf32, #tpu.memory_space<vmem>> -> memref<1280x32xf32, #tpu.memory_space<vmem>>
        %dma_start3A_959 = arith.constant 768 : i32
        %dma_start3A_960 = arith.constant 0 : i32
        %dma_start3A_961 = tpu.memref_slice %dma_start3A_958[%dma_start3A_959, %dma_start3A_960] : memref<1280x32xf32, #tpu.memory_space<vmem>> -> memref<128x32xf32, #tpu.memory_space<vmem>>
        %dma_start3A_962 = arith.constant 0 : i32
        %dma_start3A_963 = tpu.memref_slice %arg5[%add3A_952, %dma_start3A_962] : memref<200x128xi32, #tpu.memory_space<vmem>> -> memref<1x128xi32, #tpu.memory_space<vmem>>
        %dma_start3A_964 = tpu.memref_squeeze %dma_start3A_963 : memref<1x128xi32, #tpu.memory_space<vmem>> -> memref<128xi32, #tpu.memory_space<vmem>>
        %dma_start3A_965 = arith.constant 0 : i32
        %dma_start3A_966 = arith.constant 0 : i32
        %dma_start3A_967 = tpu.memref_slice %arg2[%dma_start3A_965, %dma_start3A_966] : memref<1000000x32xf32, #tpu.memory_space<hbm>> -> memref<1000000x32xf32, #tpu.memory_space<hbm>>
        %dma_start3A_968 = tpu.memref_slice %arg7[%dma_start3A_954] : memref<2x!tpu.dma_semaphore, #tpu.memory_space<semaphore_mem>> -> memref<1x!tpu.dma_semaphore, #tpu.memory_space<semaphore_mem>>
        %dma_start3A_969 = tpu.memref_squeeze %dma_start3A_968 : memref<1x!tpu.dma_semaphore, #tpu.memory_space<semaphore_mem>> -> memref<!tpu.dma_semaphore, #tpu.memory_space<semaphore_mem>>
        tpu.enqueue_indirect_dma source(%dma_start3A_967 : memref<1000000x32xf32, #tpu.memory_space<hbm>>) target(%dma_start3A_961 : memref<128x32xf32, #tpu.memory_space<vmem>>) offsets(%dma_start3A_964 : memref<128xi32, #tpu.memory_space<vmem>>) semaphore(%dma_start3A_969 : memref<!tpu.dma_semaphore, #tpu.memory_space<semaphore_mem>>)
        %mul3A_970 = arith.constant 10 : i32
        %mul3A_971 = arith.muli %add3A_822, %mul3A_970 : i32
        %add3A_972 = arith.constant 7 : i32
        %add3A_973 = arith.addi %mul3A_971, %add3A_972 : i32
        %dma_start3A_974 = arith.constant 0 : i32
        %dma_start3A_975 = arith.constant 0 : i32
        %dma_start3A_976 = arith.constant 0 : i32
        %dma_start3A_977 = arith.constant 0 : i32
        %dma_start3A_978 = tpu.memref_slice %arg6[%dma_start3A_974, %dma_start3A_976, %dma_start3A_977] : memref<2x1280x32xf32, #tpu.memory_space<vmem>> -> memref<1x1280x32xf32, #tpu.memory_space<vmem>>
        %dma_start3A_979 = tpu.memref_squeeze %dma_start3A_978 : memref<1x1280x32xf32, #tpu.memory_space<vmem>> -> memref<1280x32xf32, #tpu.memory_space<vmem>>
        %dma_start3A_980 = arith.constant 896 : i32
        %dma_start3A_981 = arith.constant 0 : i32
        %dma_start3A_982 = tpu.memref_slice %dma_start3A_979[%dma_start3A_980, %dma_start3A_981] : memref<1280x32xf32, #tpu.memory_space<vmem>> -> memref<128x32xf32, #tpu.memory_space<vmem>>
        %dma_start3A_983 = arith.constant 0 : i32
        %dma_start3A_984 = tpu.memref_slice %arg5[%add3A_973, %dma_start3A_983] : memref<200x128xi32, #tpu.memory_space<vmem>> -> memref<1x128xi32, #tpu.memory_space<vmem>>
        %dma_start3A_985 = tpu.memref_squeeze %dma_start3A_984 : memref<1x128xi32, #tpu.memory_space<vmem>> -> memref<128xi32, #tpu.memory_space<vmem>>
        %dma_start3A_986 = arith.constant 0 : i32
        %dma_start3A_987 = arith.constant 0 : i32
        %dma_start3A_988 = tpu.memref_slice %arg2[%dma_start3A_986, %dma_start3A_987] : memref<1000000x32xf32, #tpu.memory_space<hbm>> -> memref<1000000x32xf32, #tpu.memory_space<hbm>>
        %dma_start3A_989 = tpu.memref_slice %arg7[%dma_start3A_975] : memref<2x!tpu.dma_semaphore, #tpu.memory_space<semaphore_mem>> -> memref<1x!tpu.dma_semaphore, #tpu.memory_space<semaphore_mem>>
        %dma_start3A_990 = tpu.memref_squeeze %dma_start3A_989 : memref<1x!tpu.dma_semaphore, #tpu.memory_space<semaphore_mem>> -> memref<!tpu.dma_semaphore, #tpu.memory_space<semaphore_mem>>
        tpu.enqueue_indirect_dma source(%dma_start3A_988 : memref<1000000x32xf32, #tpu.memory_space<hbm>>) target(%dma_start3A_982 : memref<128x32xf32, #tpu.memory_space<vmem>>) offsets(%dma_start3A_985 : memref<128xi32, #tpu.memory_space<vmem>>) semaphore(%dma_start3A_990 : memref<!tpu.dma_semaphore, #tpu.memory_space<semaphore_mem>>)
        %mul3A_991 = arith.constant 10 : i32
        %mul3A_992 = arith.muli %add3A_822, %mul3A_991 : i32
        %add3A_993 = arith.constant 8 : i32
        %add3A_994 = arith.addi %mul3A_992, %add3A_993 : i32
        %dma_start3A_995 = arith.constant 0 : i32
        %dma_start3A_996 = arith.constant 0 : i32
        %dma_start3A_997 = arith.constant 0 : i32
        %dma_start3A_998 = arith.constant 0 : i32
        %dma_start3A_999 = tpu.memref_slice %arg6[%dma_start3A_995, %dma_start3A_997, %dma_start3A_998] : memref<2x1280x32xf32, #tpu.memory_space<vmem>> -> memref<1x1280x32xf32, #tpu.memory_space<vmem>>
        %dma_start3A_1000 = tpu.memref_squeeze %dma_start3A_999 : memref<1x1280x32xf32, #tpu.memory_space<vmem>> -> memref<1280x32xf32, #tpu.memory_space<vmem>>
        %dma_start3A_1001 = arith.constant 1024 : i32
        %dma_start3A_1002 = arith.constant 0 : i32
        %dma_start3A_1003 = tpu.memref_slice %dma_start3A_1000[%dma_start3A_1001, %dma_start3A_1002] : memref<1280x32xf32, #tpu.memory_space<vmem>> -> memref<128x32xf32, #tpu.memory_space<vmem>>
        %dma_start3A_1004 = arith.constant 0 : i32
        %dma_start3A_1005 = tpu.memref_slice %arg5[%add3A_994, %dma_start3A_1004] : memref<200x128xi32, #tpu.memory_space<vmem>> -> memref<1x128xi32, #tpu.memory_space<vmem>>
        %dma_start3A_1006 = tpu.memref_squeeze %dma_start3A_1005 : memref<1x128xi32, #tpu.memory_space<vmem>> -> memref<128xi32, #tpu.memory_space<vmem>>
        %dma_start3A_1007 = arith.constant 0 : i32
        %dma_start3A_1008 = arith.constant 0 : i32
        %dma_start3A_1009 = tpu.memref_slice %arg2[%dma_start3A_1007, %dma_start3A_1008] : memref<1000000x32xf32, #tpu.memory_space<hbm>> -> memref<1000000x32xf32, #tpu.memory_space<hbm>>
        %dma_start3A_1010 = tpu.memref_slice %arg7[%dma_start3A_996] : memref<2x!tpu.dma_semaphore, #tpu.memory_space<semaphore_mem>> -> memref<1x!tpu.dma_semaphore, #tpu.memory_space<semaphore_mem>>
        %dma_start3A_1011 = tpu.memref_squeeze %dma_start3A_1010 : memref<1x!tpu.dma_semaphore, #tpu.memory_space<semaphore_mem>> -> memref<!tpu.dma_semaphore, #tpu.memory_space<semaphore_mem>>
        tpu.enqueue_indirect_dma source(%dma_start3A_1009 : memref<1000000x32xf32, #tpu.memory_space<hbm>>) target(%dma_start3A_1003 : memref<128x32xf32, #tpu.memory_space<vmem>>) offsets(%dma_start3A_1006 : memref<128xi32, #tpu.memory_space<vmem>>) semaphore(%dma_start3A_1011 : memref<!tpu.dma_semaphore, #tpu.memory_space<semaphore_mem>>)
        %mul3A_1012 = arith.constant 10 : i32
        %mul3A_1013 = arith.muli %add3A_822, %mul3A_1012 : i32
        %add3A_1014 = arith.constant 9 : i32
        %add3A_1015 = arith.addi %mul3A_1013, %add3A_1014 : i32
        %dma_start3A_1016 = arith.constant 0 : i32
        %dma_start3A_1017 = arith.constant 0 : i32
        %dma_start3A_1018 = arith.constant 0 : i32
        %dma_start3A_1019 = arith.constant 0 : i32
        %dma_start3A_1020 = tpu.memref_slice %arg6[%dma_start3A_1016, %dma_start3A_1018, %dma_start3A_1019] : memref<2x1280x32xf32, #tpu.memory_space<vmem>> -> memref<1x1280x32xf32, #tpu.memory_space<vmem>>
        %dma_start3A_1021 = tpu.memref_squeeze %dma_start3A_1020 : memref<1x1280x32xf32, #tpu.memory_space<vmem>> -> memref<1280x32xf32, #tpu.memory_space<vmem>>
        %dma_start3A_1022 = arith.constant 1152 : i32
        %dma_start3A_1023 = arith.constant 0 : i32
        %dma_start3A_1024 = tpu.memref_slice %dma_start3A_1021[%dma_start3A_1022, %dma_start3A_1023] : memref<1280x32xf32, #tpu.memory_space<vmem>> -> memref<128x32xf32, #tpu.memory_space<vmem>>
        %dma_start3A_1025 = arith.constant 0 : i32
        %dma_start3A_1026 = tpu.memref_slice %arg5[%add3A_1015, %dma_start3A_1025] : memref<200x128xi32, #tpu.memory_space<vmem>> -> memref<1x128xi32, #tpu.memory_space<vmem>>
        %dma_start3A_1027 = tpu.memref_squeeze %dma_start3A_1026 : memref<1x128xi32, #tpu.memory_space<vmem>> -> memref<128xi32, #tpu.memory_space<vmem>>
        %dma_start3A_1028 = arith.constant 0 : i32
        %dma_start3A_1029 = arith.constant 0 : i32
        %dma_start3A_1030 = tpu.memref_slice %arg2[%dma_start3A_1028, %dma_start3A_1029] : memref<1000000x32xf32, #tpu.memory_space<hbm>> -> memref<1000000x32xf32, #tpu.memory_space<hbm>>
        %dma_start3A_1031 = tpu.memref_slice %arg7[%dma_start3A_1017] : memref<2x!tpu.dma_semaphore, #tpu.memory_space<semaphore_mem>> -> memref<1x!tpu.dma_semaphore, #tpu.memory_space<semaphore_mem>>
        %dma_start3A_1032 = tpu.memref_squeeze %dma_start3A_1031 : memref<1x!tpu.dma_semaphore, #tpu.memory_space<semaphore_mem>> -> memref<!tpu.dma_semaphore, #tpu.memory_space<semaphore_mem>>
        tpu.enqueue_indirect_dma source(%dma_start3A_1030 : memref<1000000x32xf32, #tpu.memory_space<hbm>>) target(%dma_start3A_1024 : memref<128x32xf32, #tpu.memory_space<vmem>>) offsets(%dma_start3A_1027 : memref<128xi32, #tpu.memory_space<vmem>>) semaphore(%dma_start3A_1032 : memref<!tpu.dma_semaphore, #tpu.memory_space<semaphore_mem>>)
      } else {
      }
      %add3A_795 = arith.constant 1 : i32
      %add3A_796 = arith.addi %mul3A_371, %add3A_795 : i32
      %dma_wait3A_797 = arith.constant 1 : i32
      %dma_wait3A_798 = arith.constant 1 : i32
      %dma_wait3A_799 = arith.constant 0 : i32
      %dma_wait3A_800 = arith.constant 0 : i32
      %dma_wait3A_801 = tpu.memref_slice %arg6[%dma_wait3A_797, %dma_wait3A_799, %dma_wait3A_800] : memref<2x1280x32xf32, #tpu.memory_space<vmem>> -> memref<1x1280x32xf32, #tpu.memory_space<vmem>>
      %dma_wait3A_802 = tpu.memref_squeeze %dma_wait3A_801 : memref<1x1280x32xf32, #tpu.memory_space<vmem>> -> memref<1280x32xf32, #tpu.memory_space<vmem>>
      %dma_wait3A_803 = arith.constant 0 : i32
      %dma_wait3A_804 = tpu.memref_slice %arg4[%mul3A_2, %dma_wait3A_803] : memref<819200x32xf32, #tpu.memory_space<hbm>> -> memref<1280x32xf32, #tpu.memory_space<hbm>>
      %dma_wait3A_805 = tpu.memref_slice %arg8[%dma_wait3A_798] : memref<2x!tpu.dma_semaphore, #tpu.memory_space<semaphore_mem>> -> memref<1x!tpu.dma_semaphore, #tpu.memory_space<semaphore_mem>>
      %dma_wait3A_806 = tpu.memref_squeeze %dma_wait3A_805 : memref<1x!tpu.dma_semaphore, #tpu.memory_space<semaphore_mem>> -> memref<!tpu.dma_semaphore, #tpu.memory_space<semaphore_mem>>
      %dma_wait3A_807 = arith.constant 0 : i32
      %dma_wait3A_808 = tpu.memref_slice %arg4[%mul3A_2, %dma_wait3A_807] : memref<819200x32xf32, #tpu.memory_space<hbm>> -> memref<1280x32xf32, #tpu.memory_space<hbm>>
      %dma_wait3A_809 = arith.constant 0 : i32
      %dma_wait3A_810 = arith.constant 0 : i32
      %dma_wait3A_811 = tpu.memref_slice %arg6[%dma_wait3A_797, %dma_wait3A_809, %dma_wait3A_810] : memref<2x1280x32xf32, #tpu.memory_space<vmem>> -> memref<1x1280x32xf32, #tpu.memory_space<vmem>>
      %dma_wait3A_812 = tpu.memref_squeeze %dma_wait3A_811 : memref<1x1280x32xf32, #tpu.memory_space<vmem>> -> memref<1280x32xf32, #tpu.memory_space<vmem>>
      tpu.wait_dma2 semaphore(%dma_wait3A_806 : memref<!tpu.dma_semaphore, #tpu.memory_space<semaphore_mem>>) src(%dma_wait3A_812 : memref<1280x32xf32, #tpu.memory_space<vmem>>) dst(%dma_wait3A_808 : memref<1280x32xf32, #tpu.memory_space<hbm>>)
      %add3A_813 = arith.constant 2 : i32
      %add3A_814 = arith.addi %add3A_796, %add3A_813 : i32
      %lt3A_815 = arith.constant 20 : i32
      %lt3A_816 = arith.cmpi slt, %add3A_814, %lt3A_815 : i32
      %convert_element_type3A_817 = arith.extui %lt3A_816 : i1 to i32
      %cond3A_818 = arith.constant 0 : i32
      %cond3A_819 = arith.cmpi ne, %convert_element_type3A_817, %cond3A_818 : i32
      scf.if %cond3A_819 {
        %add3A_821 = arith.constant 2 : i32
        %add3A_822 = arith.addi %add3A_796, %add3A_821 : i32
        %mul3A_823 = arith.constant 10 : i32
        %mul3A_824 = arith.muli %add3A_822, %mul3A_823 : i32
        %add3A_825 = arith.constant 0 : i32
        %add3A_826 = arith.addi %mul3A_824, %add3A_825 : i32
        %dma_start3A_827 = arith.constant 1 : i32
        %dma_start3A_828 = arith.constant 1 : i32
        %dma_start3A_829 = arith.constant 0 : i32
        %dma_start3A_830 = arith.constant 0 : i32
        %dma_start3A_831 = tpu.memref_slice %arg6[%dma_start3A_827, %dma_start3A_829, %dma_start3A_830] : memref<2x1280x32xf32, #tpu.memory_space<vmem>> -> memref<1x1280x32xf32, #tpu.memory_space<vmem>>
        %dma_start3A_832 = tpu.memref_squeeze %dma_start3A_831 : memref<1x1280x32xf32, #tpu.memory_space<vmem>> -> memref<1280x32xf32, #tpu.memory_space<vmem>>
        %dma_start3A_833 = arith.constant 0 : i32
        %dma_start3A_834 = arith.constant 0 : i32
        %dma_start3A_835 = tpu.memref_slice %dma_start3A_832[%dma_start3A_833, %dma_start3A_834] : memref<1280x32xf32, #tpu.memory_space<vmem>> -> memref<128x32xf32, #tpu.memory_space<vmem>>
        %dma_start3A_836 = arith.constant 0 : i32
        %dma_start3A_837 = tpu.memref_slice %arg5[%add3A_826, %dma_start3A_836] : memref<200x128xi32, #tpu.memory_space<vmem>> -> memref<1x128xi32, #tpu.memory_space<vmem>>
        %dma_start3A_838 = tpu.memref_squeeze %dma_start3A_837 : memref<1x128xi32, #tpu.memory_space<vmem>> -> memref<128xi32, #tpu.memory_space<vmem>>
        %dma_start3A_839 = arith.constant 0 : i32
        %dma_start3A_840 = arith.constant 0 : i32
        %dma_start3A_841 = tpu.memref_slice %arg2[%dma_start3A_839, %dma_start3A_840] : memref<1000000x32xf32, #tpu.memory_space<hbm>> -> memref<1000000x32xf32, #tpu.memory_space<hbm>>
        %dma_start3A_842 = tpu.memref_slice %arg7[%dma_start3A_828] : memref<2x!tpu.dma_semaphore, #tpu.memory_space<semaphore_mem>> -> memref<1x!tpu.dma_semaphore, #tpu.memory_space<semaphore_mem>>
        %dma_start3A_843 = tpu.memref_squeeze %dma_start3A_842 : memref<1x!tpu.dma_semaphore, #tpu.memory_space<semaphore_mem>> -> memref<!tpu.dma_semaphore, #tpu.memory_space<semaphore_mem>>
        tpu.enqueue_indirect_dma source(%dma_start3A_841 : memref<1000000x32xf32, #tpu.memory_space<hbm>>) target(%dma_start3A_835 : memref<128x32xf32, #tpu.memory_space<vmem>>) offsets(%dma_start3A_838 : memref<128xi32, #tpu.memory_space<vmem>>) semaphore(%dma_start3A_843 : memref<!tpu.dma_semaphore, #tpu.memory_space<semaphore_mem>>)
        %mul3A_844 = arith.constant 10 : i32
        %mul3A_845 = arith.muli %add3A_822, %mul3A_844 : i32
        %add3A_846 = arith.constant 1 : i32
        %add3A_847 = arith.addi %mul3A_845, %add3A_846 : i32
        %dma_start3A_848 = arith.constant 1 : i32
        %dma_start3A_849 = arith.constant 1 : i32
        %dma_start3A_850 = arith.constant 0 : i32
        %dma_start3A_851 = arith.constant 0 : i32
        %dma_start3A_852 = tpu.memref_slice %arg6[%dma_start3A_848, %dma_start3A_850, %dma_start3A_851] : memref<2x1280x32xf32, #tpu.memory_space<vmem>> -> memref<1x1280x32xf32, #tpu.memory_space<vmem>>
        %dma_start3A_853 = tpu.memref_squeeze %dma_start3A_852 : memref<1x1280x32xf32, #tpu.memory_space<vmem>> -> memref<1280x32xf32, #tpu.memory_space<vmem>>
        %dma_start3A_854 = arith.constant 128 : i32
        %dma_start3A_855 = arith.constant 0 : i32
        %dma_start3A_856 = tpu.memref_slice %dma_start3A_853[%dma_start3A_854, %dma_start3A_855] : memref<1280x32xf32, #tpu.memory_space<vmem>> -> memref<128x32xf32, #tpu.memory_space<vmem>>
        %dma_start3A_857 = arith.constant 0 : i32
        %dma_start3A_858 = tpu.memref_slice %arg5[%add3A_847, %dma_start3A_857] : memref<200x128xi32, #tpu.memory_space<vmem>> -> memref<1x128xi32, #tpu.memory_space<vmem>>
        %dma_start3A_859 = tpu.memref_squeeze %dma_start3A_858 : memref<1x128xi32, #tpu.memory_space<vmem>> -> memref<128xi32, #tpu.memory_space<vmem>>
        %dma_start3A_860 = arith.constant 0 : i32
        %dma_start3A_861 = arith.constant 0 : i32
        %dma_start3A_862 = tpu.memref_slice %arg2[%dma_start3A_860, %dma_start3A_861] : memref<1000000x32xf32, #tpu.memory_space<hbm>> -> memref<1000000x32xf32, #tpu.memory_space<hbm>>
        %dma_start3A_863 = tpu.memref_slice %arg7[%dma_start3A_849] : memref<2x!tpu.dma_semaphore, #tpu.memory_space<semaphore_mem>> -> memref<1x!tpu.dma_semaphore, #tpu.memory_space<semaphore_mem>>
        %dma_start3A_864 = tpu.memref_squeeze %dma_start3A_863 : memref<1x!tpu.dma_semaphore, #tpu.memory_space<semaphore_mem>> -> memref<!tpu.dma_semaphore, #tpu.memory_space<semaphore_mem>>
        tpu.enqueue_indirect_dma source(%dma_start3A_862 : memref<1000000x32xf32, #tpu.memory_space<hbm>>) target(%dma_start3A_856 : memref<128x32xf32, #tpu.memory_space<vmem>>) offsets(%dma_start3A_859 : memref<128xi32, #tpu.memory_space<vmem>>) semaphore(%dma_start3A_864 : memref<!tpu.dma_semaphore, #tpu.memory_space<semaphore_mem>>)
        %mul3A_865 = arith.constant 10 : i32
        %mul3A_866 = arith.muli %add3A_822, %mul3A_865 : i32
        %add3A_867 = arith.constant 2 : i32
        %add3A_868 = arith.addi %mul3A_866, %add3A_867 : i32
        %dma_start3A_869 = arith.constant 1 : i32
        %dma_start3A_870 = arith.constant 1 : i32
        %dma_start3A_871 = arith.constant 0 : i32
        %dma_start3A_872 = arith.constant 0 : i32
        %dma_start3A_873 = tpu.memref_slice %arg6[%dma_start3A_869, %dma_start3A_871, %dma_start3A_872] : memref<2x1280x32xf32, #tpu.memory_space<vmem>> -> memref<1x1280x32xf32, #tpu.memory_space<vmem>>
        %dma_start3A_874 = tpu.memref_squeeze %dma_start3A_873 : memref<1x1280x32xf32, #tpu.memory_space<vmem>> -> memref<1280x32xf32, #tpu.memory_space<vmem>>
        %dma_start3A_875 = arith.constant 256 : i32
        %dma_start3A_876 = arith.constant 0 : i32
        %dma_start3A_877 = tpu.memref_slice %dma_start3A_874[%dma_start3A_875, %dma_start3A_876] : memref<1280x32xf32, #tpu.memory_space<vmem>> -> memref<128x32xf32, #tpu.memory_space<vmem>>
        %dma_start3A_878 = arith.constant 0 : i32
        %dma_start3A_879 = tpu.memref_slice %arg5[%add3A_868, %dma_start3A_878] : memref<200x128xi32, #tpu.memory_space<vmem>> -> memref<1x128xi32, #tpu.memory_space<vmem>>
        %dma_start3A_880 = tpu.memref_squeeze %dma_start3A_879 : memref<1x128xi32, #tpu.memory_space<vmem>> -> memref<128xi32, #tpu.memory_space<vmem>>
        %dma_start3A_881 = arith.constant 0 : i32
        %dma_start3A_882 = arith.constant 0 : i32
        %dma_start3A_883 = tpu.memref_slice %arg2[%dma_start3A_881, %dma_start3A_882] : memref<1000000x32xf32, #tpu.memory_space<hbm>> -> memref<1000000x32xf32, #tpu.memory_space<hbm>>
        %dma_start3A_884 = tpu.memref_slice %arg7[%dma_start3A_870] : memref<2x!tpu.dma_semaphore, #tpu.memory_space<semaphore_mem>> -> memref<1x!tpu.dma_semaphore, #tpu.memory_space<semaphore_mem>>
        %dma_start3A_885 = tpu.memref_squeeze %dma_start3A_884 : memref<1x!tpu.dma_semaphore, #tpu.memory_space<semaphore_mem>> -> memref<!tpu.dma_semaphore, #tpu.memory_space<semaphore_mem>>
        tpu.enqueue_indirect_dma source(%dma_start3A_883 : memref<1000000x32xf32, #tpu.memory_space<hbm>>) target(%dma_start3A_877 : memref<128x32xf32, #tpu.memory_space<vmem>>) offsets(%dma_start3A_880 : memref<128xi32, #tpu.memory_space<vmem>>) semaphore(%dma_start3A_885 : memref<!tpu.dma_semaphore, #tpu.memory_space<semaphore_mem>>)
        %mul3A_886 = arith.constant 10 : i32
        %mul3A_887 = arith.muli %add3A_822, %mul3A_886 : i32
        %add3A_888 = arith.constant 3 : i32
        %add3A_889 = arith.addi %mul3A_887, %add3A_888 : i32
        %dma_start3A_890 = arith.constant 1 : i32
        %dma_start3A_891 = arith.constant 1 : i32
        %dma_start3A_892 = arith.constant 0 : i32
        %dma_start3A_893 = arith.constant 0 : i32
        %dma_start3A_894 = tpu.memref_slice %arg6[%dma_start3A_890, %dma_start3A_892, %dma_start3A_893] : memref<2x1280x32xf32, #tpu.memory_space<vmem>> -> memref<1x1280x32xf32, #tpu.memory_space<vmem>>
        %dma_start3A_895 = tpu.memref_squeeze %dma_start3A_894 : memref<1x1280x32xf32, #tpu.memory_space<vmem>> -> memref<1280x32xf32, #tpu.memory_space<vmem>>
        %dma_start3A_896 = arith.constant 384 : i32
        %dma_start3A_897 = arith.constant 0 : i32
        %dma_start3A_898 = tpu.memref_slice %dma_start3A_895[%dma_start3A_896, %dma_start3A_897] : memref<1280x32xf32, #tpu.memory_space<vmem>> -> memref<128x32xf32, #tpu.memory_space<vmem>>
        %dma_start3A_899 = arith.constant 0 : i32
        %dma_start3A_900 = tpu.memref_slice %arg5[%add3A_889, %dma_start3A_899] : memref<200x128xi32, #tpu.memory_space<vmem>> -> memref<1x128xi32, #tpu.memory_space<vmem>>
        %dma_start3A_901 = tpu.memref_squeeze %dma_start3A_900 : memref<1x128xi32, #tpu.memory_space<vmem>> -> memref<128xi32, #tpu.memory_space<vmem>>
        %dma_start3A_902 = arith.constant 0 : i32
        %dma_start3A_903 = arith.constant 0 : i32
        %dma_start3A_904 = tpu.memref_slice %arg2[%dma_start3A_902, %dma_start3A_903] : memref<1000000x32xf32, #tpu.memory_space<hbm>> -> memref<1000000x32xf32, #tpu.memory_space<hbm>>
        %dma_start3A_905 = tpu.memref_slice %arg7[%dma_start3A_891] : memref<2x!tpu.dma_semaphore, #tpu.memory_space<semaphore_mem>> -> memref<1x!tpu.dma_semaphore, #tpu.memory_space<semaphore_mem>>
        %dma_start3A_906 = tpu.memref_squeeze %dma_start3A_905 : memref<1x!tpu.dma_semaphore, #tpu.memory_space<semaphore_mem>> -> memref<!tpu.dma_semaphore, #tpu.memory_space<semaphore_mem>>
        tpu.enqueue_indirect_dma source(%dma_start3A_904 : memref<1000000x32xf32, #tpu.memory_space<hbm>>) target(%dma_start3A_898 : memref<128x32xf32, #tpu.memory_space<vmem>>) offsets(%dma_start3A_901 : memref<128xi32, #tpu.memory_space<vmem>>) semaphore(%dma_start3A_906 : memref<!tpu.dma_semaphore, #tpu.memory_space<semaphore_mem>>)
        %mul3A_907 = arith.constant 10 : i32
        %mul3A_908 = arith.muli %add3A_822, %mul3A_907 : i32
        %add3A_909 = arith.constant 4 : i32
        %add3A_910 = arith.addi %mul3A_908, %add3A_909 : i32
        %dma_start3A_911 = arith.constant 1 : i32
        %dma_start3A_912 = arith.constant 1 : i32
        %dma_start3A_913 = arith.constant 0 : i32
        %dma_start3A_914 = arith.constant 0 : i32
        %dma_start3A_915 = tpu.memref_slice %arg6[%dma_start3A_911, %dma_start3A_913, %dma_start3A_914] : memref<2x1280x32xf32, #tpu.memory_space<vmem>> -> memref<1x1280x32xf32, #tpu.memory_space<vmem>>
        %dma_start3A_916 = tpu.memref_squeeze %dma_start3A_915 : memref<1x1280x32xf32, #tpu.memory_space<vmem>> -> memref<1280x32xf32, #tpu.memory_space<vmem>>
        %dma_start3A_917 = arith.constant 512 : i32
        %dma_start3A_918 = arith.constant 0 : i32
        %dma_start3A_919 = tpu.memref_slice %dma_start3A_916[%dma_start3A_917, %dma_start3A_918] : memref<1280x32xf32, #tpu.memory_space<vmem>> -> memref<128x32xf32, #tpu.memory_space<vmem>>
        %dma_start3A_920 = arith.constant 0 : i32
        %dma_start3A_921 = tpu.memref_slice %arg5[%add3A_910, %dma_start3A_920] : memref<200x128xi32, #tpu.memory_space<vmem>> -> memref<1x128xi32, #tpu.memory_space<vmem>>
        %dma_start3A_922 = tpu.memref_squeeze %dma_start3A_921 : memref<1x128xi32, #tpu.memory_space<vmem>> -> memref<128xi32, #tpu.memory_space<vmem>>
        %dma_start3A_923 = arith.constant 0 : i32
        %dma_start3A_924 = arith.constant 0 : i32
        %dma_start3A_925 = tpu.memref_slice %arg2[%dma_start3A_923, %dma_start3A_924] : memref<1000000x32xf32, #tpu.memory_space<hbm>> -> memref<1000000x32xf32, #tpu.memory_space<hbm>>
        %dma_start3A_926 = tpu.memref_slice %arg7[%dma_start3A_912] : memref<2x!tpu.dma_semaphore, #tpu.memory_space<semaphore_mem>> -> memref<1x!tpu.dma_semaphore, #tpu.memory_space<semaphore_mem>>
        %dma_start3A_927 = tpu.memref_squeeze %dma_start3A_926 : memref<1x!tpu.dma_semaphore, #tpu.memory_space<semaphore_mem>> -> memref<!tpu.dma_semaphore, #tpu.memory_space<semaphore_mem>>
        tpu.enqueue_indirect_dma source(%dma_start3A_925 : memref<1000000x32xf32, #tpu.memory_space<hbm>>) target(%dma_start3A_919 : memref<128x32xf32, #tpu.memory_space<vmem>>) offsets(%dma_start3A_922 : memref<128xi32, #tpu.memory_space<vmem>>) semaphore(%dma_start3A_927 : memref<!tpu.dma_semaphore, #tpu.memory_space<semaphore_mem>>)
        %mul3A_928 = arith.constant 10 : i32
        %mul3A_929 = arith.muli %add3A_822, %mul3A_928 : i32
        %add3A_930 = arith.constant 5 : i32
        %add3A_931 = arith.addi %mul3A_929, %add3A_930 : i32
        %dma_start3A_932 = arith.constant 1 : i32
        %dma_start3A_933 = arith.constant 1 : i32
        %dma_start3A_934 = arith.constant 0 : i32
        %dma_start3A_935 = arith.constant 0 : i32
        %dma_start3A_936 = tpu.memref_slice %arg6[%dma_start3A_932, %dma_start3A_934, %dma_start3A_935] : memref<2x1280x32xf32, #tpu.memory_space<vmem>> -> memref<1x1280x32xf32, #tpu.memory_space<vmem>>
        %dma_start3A_937 = tpu.memref_squeeze %dma_start3A_936 : memref<1x1280x32xf32, #tpu.memory_space<vmem>> -> memref<1280x32xf32, #tpu.memory_space<vmem>>
        %dma_start3A_938 = arith.constant 640 : i32
        %dma_start3A_939 = arith.constant 0 : i32
        %dma_start3A_940 = tpu.memref_slice %dma_start3A_937[%dma_start3A_938, %dma_start3A_939] : memref<1280x32xf32, #tpu.memory_space<vmem>> -> memref<128x32xf32, #tpu.memory_space<vmem>>
        %dma_start3A_941 = arith.constant 0 : i32
        %dma_start3A_942 = tpu.memref_slice %arg5[%add3A_931, %dma_start3A_941] : memref<200x128xi32, #tpu.memory_space<vmem>> -> memref<1x128xi32, #tpu.memory_space<vmem>>
        %dma_start3A_943 = tpu.memref_squeeze %dma_start3A_942 : memref<1x128xi32, #tpu.memory_space<vmem>> -> memref<128xi32, #tpu.memory_space<vmem>>
        %dma_start3A_944 = arith.constant 0 : i32
        %dma_start3A_945 = arith.constant 0 : i32
        %dma_start3A_946 = tpu.memref_slice %arg2[%dma_start3A_944, %dma_start3A_945] : memref<1000000x32xf32, #tpu.memory_space<hbm>> -> memref<1000000x32xf32, #tpu.memory_space<hbm>>
        %dma_start3A_947 = tpu.memref_slice %arg7[%dma_start3A_933] : memref<2x!tpu.dma_semaphore, #tpu.memory_space<semaphore_mem>> -> memref<1x!tpu.dma_semaphore, #tpu.memory_space<semaphore_mem>>
        %dma_start3A_948 = tpu.memref_squeeze %dma_start3A_947 : memref<1x!tpu.dma_semaphore, #tpu.memory_space<semaphore_mem>> -> memref<!tpu.dma_semaphore, #tpu.memory_space<semaphore_mem>>
        tpu.enqueue_indirect_dma source(%dma_start3A_946 : memref<1000000x32xf32, #tpu.memory_space<hbm>>) target(%dma_start3A_940 : memref<128x32xf32, #tpu.memory_space<vmem>>) offsets(%dma_start3A_943 : memref<128xi32, #tpu.memory_space<vmem>>) semaphore(%dma_start3A_948 : memref<!tpu.dma_semaphore, #tpu.memory_space<semaphore_mem>>)
        %mul3A_949 = arith.constant 10 : i32
        %mul3A_950 = arith.muli %add3A_822, %mul3A_949 : i32
        %add3A_951 = arith.constant 6 : i32
        %add3A_952 = arith.addi %mul3A_950, %add3A_951 : i32
        %dma_start3A_953 = arith.constant 1 : i32
        %dma_start3A_954 = arith.constant 1 : i32
        %dma_start3A_955 = arith.constant 0 : i32
        %dma_start3A_956 = arith.constant 0 : i32
        %dma_start3A_957 = tpu.memref_slice %arg6[%dma_start3A_953, %dma_start3A_955, %dma_start3A_956] : memref<2x1280x32xf32, #tpu.memory_space<vmem>> -> memref<1x1280x32xf32, #tpu.memory_space<vmem>>
        %dma_start3A_958 = tpu.memref_squeeze %dma_start3A_957 : memref<1x1280x32xf32, #tpu.memory_space<vmem>> -> memref<1280x32xf32, #tpu.memory_space<vmem>>
        %dma_start3A_959 = arith.constant 768 : i32
        %dma_start3A_960 = arith.constant 0 : i32
        %dma_start3A_961 = tpu.memref_slice %dma_start3A_958[%dma_start3A_959, %dma_start3A_960] : memref<1280x32xf32, #tpu.memory_space<vmem>> -> memref<128x32xf32, #tpu.memory_space<vmem>>
        %dma_start3A_962 = arith.constant 0 : i32
        %dma_start3A_963 = tpu.memref_slice %arg5[%add3A_952, %dma_start3A_962] : memref<200x128xi32, #tpu.memory_space<vmem>> -> memref<1x128xi32, #tpu.memory_space<vmem>>
        %dma_start3A_964 = tpu.memref_squeeze %dma_start3A_963 : memref<1x128xi32, #tpu.memory_space<vmem>> -> memref<128xi32, #tpu.memory_space<vmem>>
        %dma_start3A_965 = arith.constant 0 : i32
        %dma_start3A_966 = arith.constant 0 : i32
        %dma_start3A_967 = tpu.memref_slice %arg2[%dma_start3A_965, %dma_start3A_966] : memref<1000000x32xf32, #tpu.memory_space<hbm>> -> memref<1000000x32xf32, #tpu.memory_space<hbm>>
        %dma_start3A_968 = tpu.memref_slice %arg7[%dma_start3A_954] : memref<2x!tpu.dma_semaphore, #tpu.memory_space<semaphore_mem>> -> memref<1x!tpu.dma_semaphore, #tpu.memory_space<semaphore_mem>>
        %dma_start3A_969 = tpu.memref_squeeze %dma_start3A_968 : memref<1x!tpu.dma_semaphore, #tpu.memory_space<semaphore_mem>> -> memref<!tpu.dma_semaphore, #tpu.memory_space<semaphore_mem>>
        tpu.enqueue_indirect_dma source(%dma_start3A_967 : memref<1000000x32xf32, #tpu.memory_space<hbm>>) target(%dma_start3A_961 : memref<128x32xf32, #tpu.memory_space<vmem>>) offsets(%dma_start3A_964 : memref<128xi32, #tpu.memory_space<vmem>>) semaphore(%dma_start3A_969 : memref<!tpu.dma_semaphore, #tpu.memory_space<semaphore_mem>>)
        %mul3A_970 = arith.constant 10 : i32
        %mul3A_971 = arith.muli %add3A_822, %mul3A_970 : i32
        %add3A_972 = arith.constant 7 : i32
        %add3A_973 = arith.addi %mul3A_971, %add3A_972 : i32
        %dma_start3A_974 = arith.constant 1 : i32
        %dma_start3A_975 = arith.constant 1 : i32
        %dma_start3A_976 = arith.constant 0 : i32
        %dma_start3A_977 = arith.constant 0 : i32
        %dma_start3A_978 = tpu.memref_slice %arg6[%dma_start3A_974, %dma_start3A_976, %dma_start3A_977] : memref<2x1280x32xf32, #tpu.memory_space<vmem>> -> memref<1x1280x32xf32, #tpu.memory_space<vmem>>
        %dma_start3A_979 = tpu.memref_squeeze %dma_start3A_978 : memref<1x1280x32xf32, #tpu.memory_space<vmem>> -> memref<1280x32xf32, #tpu.memory_space<vmem>>
        %dma_start3A_980 = arith.constant 896 : i32
        %dma_start3A_981 = arith.constant 0 : i32
        %dma_start3A_982 = tpu.memref_slice %dma_start3A_979[%dma_start3A_980, %dma_start3A_981] : memref<1280x32xf32, #tpu.memory_space<vmem>> -> memref<128x32xf32, #tpu.memory_space<vmem>>
        %dma_start3A_983 = arith.constant 0 : i32
        %dma_start3A_984 = tpu.memref_slice %arg5[%add3A_973, %dma_start3A_983] : memref<200x128xi32, #tpu.memory_space<vmem>> -> memref<1x128xi32, #tpu.memory_space<vmem>>
        %dma_start3A_985 = tpu.memref_squeeze %dma_start3A_984 : memref<1x128xi32, #tpu.memory_space<vmem>> -> memref<128xi32, #tpu.memory_space<vmem>>
        %dma_start3A_986 = arith.constant 0 : i32
        %dma_start3A_987 = arith.constant 0 : i32
        %dma_start3A_988 = tpu.memref_slice %arg2[%dma_start3A_986, %dma_start3A_987] : memref<1000000x32xf32, #tpu.memory_space<hbm>> -> memref<1000000x32xf32, #tpu.memory_space<hbm>>
        %dma_start3A_989 = tpu.memref_slice %arg7[%dma_start3A_975] : memref<2x!tpu.dma_semaphore, #tpu.memory_space<semaphore_mem>> -> memref<1x!tpu.dma_semaphore, #tpu.memory_space<semaphore_mem>>
        %dma_start3A_990 = tpu.memref_squeeze %dma_start3A_989 : memref<1x!tpu.dma_semaphore, #tpu.memory_space<semaphore_mem>> -> memref<!tpu.dma_semaphore, #tpu.memory_space<semaphore_mem>>
        tpu.enqueue_indirect_dma source(%dma_start3A_988 : memref<1000000x32xf32, #tpu.memory_space<hbm>>) target(%dma_start3A_982 : memref<128x32xf32, #tpu.memory_space<vmem>>) offsets(%dma_start3A_985 : memref<128xi32, #tpu.memory_space<vmem>>) semaphore(%dma_start3A_990 : memref<!tpu.dma_semaphore, #tpu.memory_space<semaphore_mem>>)
        %mul3A_991 = arith.constant 10 : i32
        %mul3A_992 = arith.muli %add3A_822, %mul3A_991 : i32
        %add3A_993 = arith.constant 8 : i32
        %add3A_994 = arith.addi %mul3A_992, %add3A_993 : i32
        %dma_start3A_995 = arith.constant 1 : i32
        %dma_start3A_996 = arith.constant 1 : i32
        %dma_start3A_997 = arith.constant 0 : i32
        %dma_start3A_998 = arith.constant 0 : i32
        %dma_start3A_999 = tpu.memref_slice %arg6[%dma_start3A_995, %dma_start3A_997, %dma_start3A_998] : memref<2x1280x32xf32, #tpu.memory_space<vmem>> -> memref<1x1280x32xf32, #tpu.memory_space<vmem>>
        %dma_start3A_1000 = tpu.memref_squeeze %dma_start3A_999 : memref<1x1280x32xf32, #tpu.memory_space<vmem>> -> memref<1280x32xf32, #tpu.memory_space<vmem>>
        %dma_start3A_1001 = arith.constant 1024 : i32
        %dma_start3A_1002 = arith.constant 0 : i32
        %dma_start3A_1003 = tpu.memref_slice %dma_start3A_1000[%dma_start3A_1001, %dma_start3A_1002] : memref<1280x32xf32, #tpu.memory_space<vmem>> -> memref<128x32xf32, #tpu.memory_space<vmem>>
        %dma_start3A_1004 = arith.constant 0 : i32
        %dma_start3A_1005 = tpu.memref_slice %arg5[%add3A_994, %dma_start3A_1004] : memref<200x128xi32, #tpu.memory_space<vmem>> -> memref<1x128xi32, #tpu.memory_space<vmem>>
        %dma_start3A_1006 = tpu.memref_squeeze %dma_start3A_1005 : memref<1x128xi32, #tpu.memory_space<vmem>> -> memref<128xi32, #tpu.memory_space<vmem>>
        %dma_start3A_1007 = arith.constant 0 : i32
        %dma_start3A_1008 = arith.constant 0 : i32
        %dma_start3A_1009 = tpu.memref_slice %arg2[%dma_start3A_1007, %dma_start3A_1008] : memref<1000000x32xf32, #tpu.memory_space<hbm>> -> memref<1000000x32xf32, #tpu.memory_space<hbm>>
        %dma_start3A_1010 = tpu.memref_slice %arg7[%dma_start3A_996] : memref<2x!tpu.dma_semaphore, #tpu.memory_space<semaphore_mem>> -> memref<1x!tpu.dma_semaphore, #tpu.memory_space<semaphore_mem>>
        %dma_start3A_1011 = tpu.memref_squeeze %dma_start3A_1010 : memref<1x!tpu.dma_semaphore, #tpu.memory_space<semaphore_mem>> -> memref<!tpu.dma_semaphore, #tpu.memory_space<semaphore_mem>>
        tpu.enqueue_indirect_dma source(%dma_start3A_1009 : memref<1000000x32xf32, #tpu.memory_space<hbm>>) target(%dma_start3A_1003 : memref<128x32xf32, #tpu.memory_space<vmem>>) offsets(%dma_start3A_1006 : memref<128xi32, #tpu.memory_space<vmem>>) semaphore(%dma_start3A_1011 : memref<!tpu.dma_semaphore, #tpu.memory_space<semaphore_mem>>)
        %mul3A_1012 = arith.constant 10 : i32
        %mul3A_1013 = arith.muli %add3A_822, %mul3A_1012 : i32
        %add3A_1014 = arith.constant 9 : i32
        %add3A_1015 = arith.addi %mul3A_1013, %add3A_1014 : i32
        %dma_start3A_1016 = arith.constant 1 : i32
        %dma_start3A_1017 = arith.constant 1 : i32
        %dma_start3A_1018 = arith.constant 0 : i32
        %dma_start3A_1019 = arith.constant 0 : i32
        %dma_start3A_1020 = tpu.memref_slice %arg6[%dma_start3A_1016, %dma_start3A_1018, %dma_start3A_1019] : memref<2x1280x32xf32, #tpu.memory_space<vmem>> -> memref<1x1280x32xf32, #tpu.memory_space<vmem>>
        %dma_start3A_1021 = tpu.memref_squeeze %dma_start3A_1020 : memref<1x1280x32xf32, #tpu.memory_space<vmem>> -> memref<1280x32xf32, #tpu.memory_space<vmem>>
        %dma_start3A_1022 = arith.constant 1152 : i32
        %dma_start3A_1023 = arith.constant 0 : i32
        %dma_start3A_1024 = tpu.memref_slice %dma_start3A_1021[%dma_start3A_1022, %dma_start3A_1023] : memref<1280x32xf32, #tpu.memory_space<vmem>> -> memref<128x32xf32, #tpu.memory_space<vmem>>
        %dma_start3A_1025 = arith.constant 0 : i32
        %dma_start3A_1026 = tpu.memref_slice %arg5[%add3A_1015, %dma_start3A_1025] : memref<200x128xi32, #tpu.memory_space<vmem>> -> memref<1x128xi32, #tpu.memory_space<vmem>>
        %dma_start3A_1027 = tpu.memref_squeeze %dma_start3A_1026 : memref<1x128xi32, #tpu.memory_space<vmem>> -> memref<128xi32, #tpu.memory_space<vmem>>
        %dma_start3A_1028 = arith.constant 0 : i32
        %dma_start3A_1029 = arith.constant 0 : i32
        %dma_start3A_1030 = tpu.memref_slice %arg2[%dma_start3A_1028, %dma_start3A_1029] : memref<1000000x32xf32, #tpu.memory_space<hbm>> -> memref<1000000x32xf32, #tpu.memory_space<hbm>>
        %dma_start3A_1031 = tpu.memref_slice %arg7[%dma_start3A_1017] : memref<2x!tpu.dma_semaphore, #tpu.memory_space<semaphore_mem>> -> memref<1x!tpu.dma_semaphore, #tpu.memory_space<semaphore_mem>>
        %dma_start3A_1032 = tpu.memref_squeeze %dma_start3A_1031 : memref<1x!tpu.dma_semaphore, #tpu.memory_space<semaphore_mem>> -> memref<!tpu.dma_semaphore, #tpu.memory_space<semaphore_mem>>
        tpu.enqueue_indirect_dma source(%dma_start3A_1030 : memref<1000000x32xf32, #tpu.memory_space<hbm>>) target(%dma_start3A_1024 : memref<128x32xf32, #tpu.memory_space<vmem>>) offsets(%dma_start3A_1027 : memref<128xi32, #tpu.memory_space<vmem>>) semaphore(%dma_start3A_1032 : memref<!tpu.dma_semaphore, #tpu.memory_space<semaphore_mem>>)
      } else {
      }
      %scan3A_820 = arith.constant 0 : i32
      scf.yield %scan3A_820 : i32
    }
    %scan3A_367 = arith.constant 10 : i32
    return
  }
}

</mosaic_0001>

<sc_bundles>
// kernel: kernel.3.cloned.1.call-start
scs
__scs_entry_jumppad:
0x0: {  	(pc) =	sbr.rel $0x88, $3  }
0x1: {  	(tag) =	ssettag $0x0;
	lr =	simm.s32 $0x1  }
0x2: {  	[smem:$0x3F9F] =	sst lr;
	_ =	strace $0xD0000000  }
0x3: {  	_ = 	snop  }
0x4: {  	_ = 	snop  }
0x5: {  	_ = 	snop  }
0x6: {  	_ = 	snop  }
0x7: {  	_ = 	snop  }
__scs_overlays_trampoline_lowered:
0x8: {  	[smem:$0x3FAE] =	sst s0  }
0x9: {  	[smem:$0x3FAF] =	sst s1  }
0xa: {  	[smem:$0x3FB0] =	sst s2  }
0xb: {  	[smem:$0x3FB1] =	sst s3  }
0xc: {  	[smem:$0x3FB2] =	sst s4  }
0xd: {  	[smem:$0x3FB3] =	sst s5  }
0xe: {  	[smem:$0x3FB4] =	sst s6  }
0xf: {  	[smem:$0x3FB5] =	sst s7  }
0x10: {  	[smem:$0x3FB6] =	sst s8  }
0x11: {  	[smem:$0x3FB7] =	sst s9;
	s0 =	simm.s32 @!p0 $0x0  }
0x12: {  	s1 =	sld [smem:$0x3F9D];
	s0 =	simm.s32 @p0 $0x1  }
0x13: {  	[smem:$0x3FB8] =	sst s0;
	s0 =	simm.s32 @!p1 $0x0  }
0x14: {  	s2 =	sld [smem:$0x3F9C];
	s0 =	simm.s32 @p1 $0x1  }
0x15: {  	[smem:$0x3FB9] =	sst s0;
	s0 =	simm.s32 @!p2 $0x0  }
0x16: {  	s3 =	sld [smem:$0x3FDB];
	s0 =	simm.s32 @p2 $0x1  }
0x17: {  	s4 =	simm.s32 $0x1BF5;
	[smem:$0x3FBB] =	sst s0  }
0x18: {  	s0 =	sld [smem:$0x3F9E];
	_ =	swait.ge [sflag:s4], $0x0  }
0x19: {  	s7 =	sld [smem:$0x3F9F]  }
0x1a: {  	s8 =	sadd.s32 $0xFFFFE003, lr  }
0x1b: {  	s9 =	sadd.s32 $0xFFFFFEF7, lr;
	s5 =	simm.s32 $0xFFFFFFFF;
	p2 =	slt.u32 s8, $0xFFFFF086  }
0x1c: {  	p1 =	slt.u32 s9, $0xF7A;
	s5 =	simm.s32 @!p2 $0x0  }
0x1d: {  	s5 =	simm.s32 @p1 $0x1;
	p0 =	seq.s32 s7, s2  }
0x1e: {  	s7 =	smul.u32 @!p0 $0xF7A, s2;
	p2 =	seq.s32 @!p0 s5, $0x0  }
0x1f: {  	s9 =	smul.u32 $0xF7A, s1;
	s8 =	simm.s32 @!p0 $0x1BF5;
	p2 =	por !p2, p0  }
0x20: {  	[sflag:s8] =	ssyncset.s32 @!p0 $0xFFFFF086;
	s6 =	sadd.s32 @!p0 s3, s7;
	s7 =	simm.s32 @!p0 $0x108  }
0x21: {  	s3 =	sadd.s32 s3, s9;
	s6 =	sadd.s32 @!p0 $0x88, s6;
	s7 =	simm.s32 @p2 $0x1082  }
0x22: {  	[simem:s7], [sflag:s8] =	dma.local @!p0 [hbm:s6], $0xF7A  }
0x23: {  	s9 =	sor.u32 $0xD0000000, s2;
	s6 =	simm.s32 $0x108;
	_ =	swait.ge @!p0 [sflag:s8], $0x0  }
0x24: {  	s3 =	sadd.s32 $0x88, s3;
	s6 =	simm.s32 @!p1 $0x1082;
	[sflag:s4] =	ssyncset.s32 $0xFFFFF086  }
0x25: {  	[simem:s6], [sflag:s4] =	dma.local [hbm:s3], $0xF7A  }
0x26: {  	[smem:$0x3F9F] =	sst s1;
	(tag) =	ssettag s2;
	_ =	strace s9  }
0x27: {  	s1 =	sld [smem:$0x3FAF]  }
0x28: {  	s2 =	sld [smem:$0x3FB0]  }
0x29: {  	s4 =	sld [smem:$0x3FB2]  }
0x2a: {  	p0 =	seq.s32 s5, $0x0;
	s5 =	sld [smem:$0x3FB3]  }
0x2b: {  	s6 =	sld [smem:$0x3FB4]  }
0x2c: {  	s7 =	sld [smem:$0x3FB5]  }
0x2d: {  	s3 =	simm.s32 $0x108;
	s8 =	sld [smem:$0x3FB6]  }
0x2e: {  	s3 =	simm.s32 @!p0 $0x1082;
	s9 =	sld [smem:$0x3FB7]  }
0x2f: {  	lr =	sadd.s32 s0, s3;
	s0 =	sld [smem:$0x3FAE]  }
0x30: {  	s3 =	sld [smem:$0x3FB1]  }
0x31: {  	[smem:$0x3FBA] =	sst s10  }
0x32: {  	s10 =	sld [smem:$0x3FB8];
	_ =	sdelay $0x3  }
0x33: {  	p0 =	seq.s32 s10, $0x1;
	s10 =	sld [smem:$0x3FBA];
	_ =	sdelay $0x3  }
0x34: {  	[smem:$0x3FBA] =	sst s10  }
0x35: {  	s10 =	sld [smem:$0x3FB9];
	_ =	sdelay $0x3  }
0x36: {  	p1 =	seq.s32 s10, $0x1;
	s10 =	sld [smem:$0x3FBA];
	_ =	sdelay $0x3  }
0x37: {  	[smem:$0x3FBA] =	sst s10  }
0x38: {  	s10 =	sld [smem:$0x3FBB]  }
0x39: {  	_ = 	snop;
	(pc) =	sbr.ind lr, $3  }
0x3a: {  	_ = 	snop  }
0x3b: {  	_ = 	snop  }
0x3c: {  	p2 =	seq.s32 s10, $0x1;
	s10 =	sld [smem:$0x3FBA]  }
0x3d: {  	_ =	shalt  }
0x3e: {  	_ =	shalt  }
0x3f: {  	_ =	shalt  }
0x40: {  	_ =	shalt  }
0x41: {  	_ =	shalt  }
0x42: {  	_ =	shalt  }
0x43: {  	_ =	shalt  }
0x44: {  	_ =	shalt  }
0x45: {  	_ =	shalt  }
0x46: {  	_ =	shalt  }
0x47: {  	_ =	shalt  }
0x48: {  	_ =	shalt  }
0x49: {  	_ =	shalt  }
0x4a: {  	_ =	shalt  }
0x4b: {  	_ =	shalt  }
0x4c: {  	_ =	shalt  }
0x4d: {  	_ =	shalt  }
0x4e: {  	_ =	shalt  }
0x4f: {  	_ =	shalt  }
0x50: {  	_ =	shalt  }
0x51: {  	_ =	shalt  }
0x52: {  	_ =	shalt  }
0x53: {  	_ =	shalt  }
0x54: {  	_ =	shalt  }
0x55: {  	_ =	shalt  }
0x56: {  	_ =	shalt  }
0x57: {  	_ =	shalt  }
0x58: {  	_ =	shalt  }
0x59: {  	_ =	shalt  }
0x5a: {  	_ =	shalt  }
0x5b: {  	_ =	shalt  }
0x5c: {  	_ =	shalt  }
0x5d: {  	_ =	shalt  }
0x5e: {  	_ =	shalt  }
0x5f: {  	_ =	shalt  }
0x60: {  	_ =	shalt  }
0x61: {  	_ =	shalt  }
0x62: {  	_ =	shalt  }
0x63: {  	_ =	shalt  }
0x64: {  	_ =	shalt  }
0x65: {  	_ =	shalt  }
0x66: {  	_ =	shalt  }
0x67: {  	_ =	shalt  }
0x68: {  	_ =	shalt  }
0x69: {  	_ =	shalt  }
0x6a: {  	_ =	shalt  }
0x6b: {  	_ =	shalt  }
0x6c: {  	_ =	shalt  }
0x6d: {  	_ =	shalt  }
0x6e: {  	_ =	shalt  }
0x6f: {  	_ =	shalt  }
0x70: {  	_ =	shalt  }
0x71: {  	_ =	shalt  }
0x72: {  	_ =	shalt  }
0x73: {  	_ =	shalt  }
0x74: {  	_ =	shalt  }
0x75: {  	_ =	shalt  }
0x76: {  	_ =	shalt  }
0x77: {  	_ =	shalt  }
0x78: {  	_ =	shalt  }
0x79: {  	_ =	shalt  }
0x7a: {  	_ =	shalt  }
0x7b: {  	_ =	shalt  }
0x7c: {  	_ =	shalt  }
0x7d: {  	_ =	shalt  }
0x7e: {  	_ =	shalt  }
0x7f: {  	_ =	shalt  }
0x80: {  	_ =	shalt  }
0x81: {  	_ =	shalt  }
0x82: {  	_ =	shalt  }
0x83: {  	_ =	shalt  }
0x84: {  	_ =	shalt  }
0x85: {  	_ =	shalt  }
0x86: {  	_ =	shalt  }
0x87: {  	_ =	shalt  }
.Lfunc_end0:
.L_simem_size_0:
called_computation.2_lowered:
.L_overlay_start_0:
0x88: {  	s2 =	sld [smem:$0x3FD9]  }
0x89: {  	s3 =	sld [smem:$0x3FFE];
	_ =	sdelay $0x1  }
0x8a: {  	s1 =	srdreg.scid  }
0x8b: {  	s0 =	sand.u32 $0x1, s1  }
0x8c: {  	s17 =	sshll.u32 s0, $0xA;
	s2 =	sadd.s32 s3, s2  }
0x8d: {  	s2 =	sadd.s32 s2, s17  }
0x8e: {  	[smem:$0x3FC6] =	sst s2  }
0x8f: {  	_ = 	snop  }
0x90: {  	s2 =	sld [smem:$0x3FD0];
	(tm) =	ssettm $0x1  }
0x91: {  	s18 =	sld [smem:$0x3FFB];
	_ =	sdelay $0x3  }
0x92: {  	_ =	strace s18  }
0x93: {  	s3 =	sld [smem:$0x3FFC];
	_ =	sdelay $0x3  }
0x94: {  	_ =	strace s3  }
0x95: {  	s3 =	sld [smem:$0x3FFD];
	_ =	sdelay $0x3  }
0x96: {  	_ =	strace s3  }
0x97: {  	_ =	strace $0x8FFFFFFF  }
0x98: {  	s19 =	sld [smem:$0x3FDB];
	_ =	sdelay $0x1  }
0x99: {  	s4 =	simm.s32 $_scs_section_size  }
0x9a: {  	s5 =	simm.s32 $_size__tile_overlayer_lowered;
	s6 =	simm.s32 $_tile_overlayer_lowered  }
0x9b: {  	s22 =	simm.s32 $0x1BFF;
	s21 =	sshll.u32 s6, $0x1;
	s3 =	sadd.s32 s4, s19  }
0x9c: {  	s7 =	simm.s32 $0x0;
	s20 =	sshll.u32 s5, $0x1;
	s5 =	sadd.s32 s21, s3  }
0x9d: {  	[timem:s7], [sflag:s22] =	dma.local [hbm:s5], s20  }
0x9e: {  	_ =	swait.ge [sflag:s22], s20  }
0x9f: {  	s4 =	ssub.s32 $0x0, s20;
	[sflag:s22] =	ssyncset.done $0x0  }
0xa0: {  	[sflag:s22] =	ssyncadd.s32 s4;
	_ =	sdelay $0x1  }
0xa1: {  	s23 =	simm.s32 $0x1B8B  }
0xa2: {  	_ =	swait.ge [sflag:s23], $0x1  }
0xa3: {  	[sflag:s23] =	ssyncset.done $0x0  }
0xa4: {  	s25 =	simm.s32 $0x1B8E;
	s24 =	sld [smem:$0x3FFE];
	[sflag:s23] =	ssyncadd.s32 $0xFFFFFFFF  }
0xa5: {  	s26 =	simm.s32 $execute0_lowered;
	[smem:$0x3FD2] =	sst s25  }
0xa6: {  	s5 =	sshll.u32 s26, $0x1;
	_ =	strace $0x80000046;
	[dreg:$0x1] =	wrdreg $0xFFFFFFFF  }
0xa7: {  	s28 =	simm.s32 $_size_execute0_lowered;
	s3 =	sadd.s32 s3, s5;
	[dreg:$0x0] =	wrdreg $0x0  }
0xa8: {  	s5 =	sshll.u32 s28, $0x1;
	[dreg:$0x2] =	wrdreg s3  }
0xa9: {  	[dreg:$0x3] =	wrdreg s5  }
0xaa: {  	[dreg:$0x4] =	wrdreg $0xC0  }
0xab: {  	_ =	task [dreg:s7], $0x5FFFF  }
0xac: {  	[dreg:$0x1] =	wrdreg $0xFFFFFFFF  }
0xad: {  	[dreg:$0x0] =	wrdreg $0x60  }
0xae: {  	[dreg:$0x2] =	wrdreg s24  }
0xaf: {  	[dreg:$0x3] =	wrdreg s2  }
0xb0: {  	[dreg:$0x4] =	wrdreg $0x9  }
0xb1: {  	_ =	task.clear_ibuf [dreg:s7], $0x5FFFF;
	_ =	strace $0x90000046  }
0xb2: {  	s29 =	simm.s32 $0x9;
	_ =	strace $0x80000048  }
0xb3: {  	_ =	swait.ge [sflag:s29], $0x1  }
0xb4: {  	[sflag:s29] =	ssyncadd.s32 $0xFFFFFFFF  }
0xb5: {  	_ =	strace $0x90000048  }
0xb6: {  	_ =	sfence  }
0xb7: {  	s30 =	sld [smem:$0x0];
	_ =	sdelay $0x2  }
0xb8: {  	s31 =	sshll.u32 s1, $0xD;
	s1 =	sshrl.u32 s1, $0x2  }
0xb9: {  	s3 =	sand.u32 $0x4000, s31;
	s1 =	sadd.s32 s1, s30  }
0xba: {  	s0 =	sor.u32 s3, s0;
	s1 =	sshll.u32 s1, $0x11  }
0xbb: {  	s0 =	sor.u32 s1, s0  }
0xbc: {  	s0 =	sadd.s32 $0x8F2B, s0  }
0xbd: {  	[sflag:s0] =	ssyncadd.remote.s32 $0x1  }
0xbe: {  	_ =	sfence.sel $0xFFFF  }
0xbf: {  	[dreg:$0x0] =	wrdreg $0xFFFFFFFF;
	(pc) =	sbr.abs _section_cstart, $3  }
0xc0: {  	[dreg:$0x1] =	wrdreg $0xFFFFFFFF  }
0xc1: {  	_ =	task.clear_ibuf [dreg:s7], $0x2FFFF;
	_ =	strace $0x9FFFFFFF  }
0xc2: {  	(tm) =	ssettm $0x7FFFFFFF  }
0xc3: {  	_ =	shalt  }
tec
execute0_lowered:
.L_overlay_start_1:
0x0: {  	(tag) =	ssettag $0x1  }
0x1: {  	s0 =	srdreg.scid;
	s1 =	rddreg [dreg:$0x0]  }
0x2: {  	s9 =	stileid.u32;
	s4 =	rddreg [dreg:$0x1];
	s10 =	simm.s32 $0x6400  }
0x3: {  	s15 =	simm.s32 $0x9400;
	s17 =	simm.s32 $0xA400;
	s19 =	simm.s32 $0xB400  }
0x4: {  	s21 =	simm.s32 $0xC400;
	s28 =	simm.s32 $0xF400;
	s30 =	simm.s32 $0x10400  }
0x5: {  	s12 =	simm.s32 $0x12400;
	s16 =	simm.s32 $0x13400;
	s20 =	simm.s32 $0x14400  }
0x6: {  	s29 =	simm.s32 $0x16400;
	s18 =	simm.s32 $0x18400;
	s31 =	simm.s32 $0x1  }
0x7: {  	s14 =	simm.s32 $0x2;
	s22 =	simm.s32 $0x3;
	s5 =	smul.u32 $0xC800, s9  }
0x8: {  	s0 =	sand.u32 $0x1, s0;
	s2 =	sshll.u32 s9, $0x1;
	s24 =	smul.u32 $0x32000, s9  }
0x9: {  	s9 =	simm.s32 $0x80;
	s3 =	sor.u32 s0, s2;
	s7 =	smul.u32 $0x6400, s0  }
0xa: {  	s2 =	simm.s32 $0x0;
	s23 =	ssub.s32 $0x2, s0;
	s3 =	smul.u32 $0x6400, s3  }
0xb: {  	s0 =	smul.u32 $0x19000, s0;
	[smem:$0x7FF] =	sst s2;
	s8 =	sshrl.u32 s23, $0x1  }
0xc: {  	_ =	strace $0x80000047;
	s5 =	sadd.s32 s7, s5;
	s6 =	sshrl.u32 s3, $0x3  }
0xd: {  	s3 =	sadd.s32 $0xF43200, s1;
	s5 =	sshll.u32 s5, $0x2;
	s1 =	sadd.s32 s6, s1  }
0xe: {  	s6 =	ssub.s32 s23, s8;
	s25 =	sadd.s32 s4, s5;
	s4 =	sadd.s32 s24, s4  }
.Ltmp0:
0xf: {  	s23 =	simm.s32 $0xD400;
	s24 =	simm.s32 $0x15400;
	(pc) =	sbr.rel .LBB2_1-.Ltmp0, $4  }
0x10: {  	s8 =	simm.s32 $0x0;
	s1 =	sadd.s32 $0xE00, s1;
	s26 =	smax.u32 s6, $0x1  }
0x11: {  	s6 =	sadd.s32 $0x1400, s25;
	s7 =	sadd.s32 s0, s4;
	s25 =	simm.s32 $0xE400  }
0x12: {  	s0 =	simm.s32 $0x17400;
	s4 =	simm.s32 $0x4;
	[dreg:$0x3] =	wrdreg s1  }
0x13: {  	[dreg:$0x4] =	wrdreg s26;
	s1 =	simm.s32 $0x11400;
	s26 =	simm.s32 $0x19400  }
.LBB2_4:
0x14: {  	_ =	swait.ge [sflag:s4], $0xA000  }
0x15: {  	s8 =	rddreg [dreg:$0x5]  }
0x16: {  	s5 =	rddreg [dreg:$0x4];
	s8 =	sadd.s32 $0x1, s8  }
0x17: {  	p0 =	sne.s32 s8, s5  }
.Ltmp1:
0x18: {  	_ = 	snop;
	(pc) =	sbr.rel @!p0 .LBB2_5-.Ltmp1, $3  }
0x19: {  	_ =	sdelay $0x1  }
0x1a: {  	[sflag:s4] =	ssyncset.done $0x0  }
0x1b: {  	[sflag:s4] =	ssyncadd.s32 $0xFFFF6000  }
.LBB2_1:
0x1c: {  	[dreg:$0x5] =	wrdreg s8  }
0x1d: {  	s5 =	rddreg [dreg:$0x3];
	s13 =	simm.s32 $0x5  }
0x1e: {  	[tilespmem:s2], [sflag:$0x5] =	stream.linear.gather [hbm4b:s5+s2], $0x6400, $0x38;
	[tilespmem:$0x1A400] =	vst v63  }
0x1f: {  	_ =	swait.ge [sflag:s13], $0x6400  }
0x20: {  	[sflag:s13] =	ssyncset.done $0x0  }
0x21: {  	[sflag:s13] =	ssyncadd.s32 $0xFFFF9C00  }
0x22: {  	[tilespmem:s10], [sflag:$0x1] =	stream.indirect.gather [hbm4b:s3+s9], $0x20, s2, s9, $0xb8;
	[tilespmem:$0x1A400] =	vst v63  }
0x23: {  	s8 =	simm.s32 $0x7400  }
0x24: {  	[tilespmem:s8], [sflag:$0x1] =	stream.indirect.gather [hbm4b:s3+s9], $0x20, s9, s9, $0xb8;
	[tilespmem:$0x1A400] =	vst v63  }
0x25: {  	s11 =	simm.s32 $0x100;
	s13 =	simm.s32 $0x8400  }
0x26: {  	[tilespmem:s13], [sflag:$0x1] =	stream.indirect.gather [hbm4b:s3+s9], $0x20, s11, s9, $0xb8;
	[tilespmem:$0x1A400] =	vst v63  }
0x27: {  	s11 =	simm.s32 $0x180  }
0x28: {  	[tilespmem:s15], [sflag:$0x1] =	stream.indirect.gather [hbm4b:s3+s9], $0x20, s11, s9, $0xb8;
	[tilespmem:$0x1A400] =	vst v63  }
0x29: {  	s13 =	simm.s32 $0x200  }
0x2a: {  	[tilespmem:s17], [sflag:$0x1] =	stream.indirect.gather [hbm4b:s3+s9], $0x20, s13, s9, $0xb8;
	[tilespmem:$0x1A400] =	vst v63  }
0x2b: {  	s8 =	simm.s32 $0x280  }
0x2c: {  	[tilespmem:s19], [sflag:$0x1] =	stream.indirect.gather [hbm4b:s3+s9], $0x20, s8, s9, $0xb8;
	[tilespmem:$0x1A400] =	vst v63  }
0x2d: {  	s11 =	simm.s32 $0x300  }
0x2e: {  	[tilespmem:s21], [sflag:$0x1] =	stream.indirect.gather [hbm4b:s3+s9], $0x20, s11, s9, $0xb8;
	[tilespmem:$0x1A400] =	vst v63  }
0x2f: {  	s13 =	simm.s32 $0x380  }
0x30: {  	[tilespmem:s23], [sflag:$0x1] =	stream.indirect.gather [hbm4b:s3+s9], $0x20, s13, s9, $0xb8;
	[tilespmem:$0x1A400] =	vst v63  }
0x31: {  	s8 =	simm.s32 $0x400  }
0x32: {  	[tilespmem:s25], [sflag:$0x1] =	stream.indirect.gather [hbm4b:s3+s9], $0x20, s8, s9, $0xb8;
	[tilespmem:$0x1A400] =	vst v63  }
0x33: {  	s11 =	simm.s32 $0x480  }
0x34: {  	[tilespmem:s28], [sflag:$0x1] =	stream.indirect.gather [hbm4b:s3+s9], $0x20, s11, s9, $0xb8;
	[tilespmem:$0x1A400] =	vst v63  }
0x35: {  	s13 =	simm.s32 $0x500  }
0x36: {  	[tilespmem:s30], [sflag:$0x2] =	stream.indirect.gather [hbm4b:s3+s9], $0x20, s13, s9, $0xb8;
	[tilespmem:$0x1A400] =	vst v63  }
0x37: {  	s8 =	simm.s32 $0x580  }
0x38: {  	[tilespmem:s1], [sflag:$0x2] =	stream.indirect.gather [hbm4b:s3+s9], $0x20, s8, s9, $0xb8;
	[tilespmem:$0x1A400] =	vst v63  }
0x39: {  	s11 =	simm.s32 $0x600  }
0x3a: {  	[tilespmem:s12], [sflag:$0x2] =	stream.indirect.gather [hbm4b:s3+s9], $0x20, s11, s9, $0xb8;
	[tilespmem:$0x1A400] =	vst v63  }
0x3b: {  	s13 =	simm.s32 $0x680  }
0x3c: {  	[tilespmem:s16], [sflag:$0x2] =	stream.indirect.gather [hbm4b:s3+s9], $0x20, s13, s9, $0xb8;
	[tilespmem:$0x1A400] =	vst v63  }
0x3d: {  	s8 =	simm.s32 $0x700  }
0x3e: {  	[tilespmem:s20], [sflag:$0x2] =	stream.indirect.gather [hbm4b:s3+s9], $0x20, s8, s9, $0xb8;
	[tilespmem:$0x1A400] =	vst v63  }
0x3f: {  	s11 =	simm.s32 $0x780  }
0x40: {  	[tilespmem:s24], [sflag:$0x2] =	stream.indirect.gather [hbm4b:s3+s9], $0x20, s11, s9, $0xb8;
	[tilespmem:$0x1A400] =	vst v63  }
0x41: {  	s13 =	simm.s32 $0x800  }
0x42: {  	[tilespmem:s29], [sflag:$0x2] =	stream.indirect.gather [hbm4b:s3+s9], $0x20, s13, s9, $0xb8;
	[tilespmem:$0x1A400] =	vst v63  }
0x43: {  	s8 =	simm.s32 $0x880  }
0x44: {  	[tilespmem:s0], [sflag:$0x2] =	stream.indirect.gather [hbm4b:s3+s9], $0x20, s8, s9, $0xb8;
	[tilespmem:$0x1A400] =	vst v63  }
0x45: {  	s11 =	simm.s32 $0x900  }
0x46: {  	[tilespmem:s18], [sflag:$0x2] =	stream.indirect.gather [hbm4b:s3+s9], $0x20, s11, s9, $0xb8;
	[tilespmem:$0x1A400] =	vst v63  }
0x47: {  	s13 =	simm.s32 $0x980;
	s8 =	simm.s32 $0x0  }
0x48: {  	[tilespmem:s26], [sflag:$0x2] =	stream.indirect.gather [hbm4b:s3+s9], $0x20, s13, s9, $0xb8;
	[tilespmem:$0x1A400] =	vst v63  }
.LBB2_2:
0x49: {  	_ =	swait.ge [sflag:s31], $0x1000  }
0x4a: {  	[sflag:s31] =	ssyncset.done $0x0  }
0x4b: {  	[sflag:s31] =	ssyncadd.s32 $0xFFFFF000  }
0x4c: {  	_ =	swait.ge [sflag:s31], $0x1000  }
0x4d: {  	[sflag:s31] =	ssyncset.done $0x0  }
0x4e: {  	[sflag:s31] =	ssyncadd.s32 $0xFFFFF000  }
0x4f: {  	_ =	swait.ge [sflag:s31], $0x1000  }
0x50: {  	[sflag:s31] =	ssyncset.done $0x0  }
0x51: {  	[sflag:s31] =	ssyncadd.s32 $0xFFFFF000  }
0x52: {  	_ =	swait.ge [sflag:s31], $0x1000  }
0x53: {  	[sflag:s31] =	ssyncset.done $0x0  }
0x54: {  	[sflag:s31] =	ssyncadd.s32 $0xFFFFF000  }
0x55: {  	_ =	swait.ge [sflag:s31], $0x1000  }
0x56: {  	[sflag:s31] =	ssyncset.done $0x0  }
0x57: {  	[sflag:s31] =	ssyncadd.s32 $0xFFFFF000  }
0x58: {  	_ =	swait.ge [sflag:s31], $0x1000  }
0x59: {  	[sflag:s31] =	ssyncset.done $0x0  }
0x5a: {  	[sflag:s31] =	ssyncadd.s32 $0xFFFFF000  }
0x5b: {  	_ =	swait.ge [sflag:s31], $0x1000  }
0x5c: {  	[sflag:s31] =	ssyncset.done $0x0  }
0x5d: {  	[sflag:s31] =	ssyncadd.s32 $0xFFFFF000  }
0x5e: {  	_ =	swait.ge [sflag:s31], $0x1000  }
0x5f: {  	[sflag:s31] =	ssyncset.done $0x0  }
0x60: {  	[sflag:s31] =	ssyncadd.s32 $0xFFFFF000  }
0x61: {  	_ =	swait.ge [sflag:s31], $0x1000  }
0x62: {  	[sflag:s31] =	ssyncset.done $0x0  }
0x63: {  	[sflag:s31] =	ssyncadd.s32 $0xFFFFF000  }
0x64: {  	_ =	swait.ge [sflag:s31], $0x1000  }
0x65: {  	[sflag:s31] =	ssyncset.done $0x0  }
0x66: {  	s5 =	sadd.s32 s8, s7;
	[sflag:s31] =	ssyncadd.s32 $0xFFFFF000  }
0x67: {  	[hbm4b:s5+s2] =	stream.linear.scatter [tilespmem:s10], [sflag:$0x3], $0xA000, $0x38;
	[tilespmem:$0x1A400] =	vst v63  }
0x68: {  	_ =	swait.ge [sflag:s14], $0x1000  }
0x69: {  	[sflag:s14] =	ssyncset.done $0x0  }
0x6a: {  	[sflag:s14] =	ssyncadd.s32 $0xFFFFF000  }
0x6b: {  	_ =	swait.ge [sflag:s14], $0x1000  }
0x6c: {  	[sflag:s14] =	ssyncset.done $0x0  }
0x6d: {  	[sflag:s14] =	ssyncadd.s32 $0xFFFFF000  }
0x6e: {  	_ =	swait.ge [sflag:s14], $0x1000  }
0x6f: {  	[sflag:s14] =	ssyncset.done $0x0  }
0x70: {  	[sflag:s14] =	ssyncadd.s32 $0xFFFFF000  }
0x71: {  	_ =	swait.ge [sflag:s14], $0x1000  }
0x72: {  	[sflag:s14] =	ssyncset.done $0x0  }
0x73: {  	[sflag:s14] =	ssyncadd.s32 $0xFFFFF000  }
0x74: {  	_ =	swait.ge [sflag:s14], $0x1000  }
0x75: {  	[sflag:s14] =	ssyncset.done $0x0  }
0x76: {  	[sflag:s14] =	ssyncadd.s32 $0xFFFFF000  }
0x77: {  	_ =	swait.ge [sflag:s14], $0x1000  }
0x78: {  	[sflag:s14] =	ssyncset.done $0x0  }
0x79: {  	[sflag:s14] =	ssyncadd.s32 $0xFFFFF000  }
0x7a: {  	_ =	swait.ge [sflag:s14], $0x1000  }
0x7b: {  	[sflag:s14] =	ssyncset.done $0x0  }
0x7c: {  	[sflag:s14] =	ssyncadd.s32 $0xFFFFF000  }
0x7d: {  	_ =	swait.ge [sflag:s14], $0x1000  }
0x7e: {  	[sflag:s14] =	ssyncset.done $0x0  }
0x7f: {  	[sflag:s14] =	ssyncadd.s32 $0xFFFFF000  }
0x80: {  	_ =	swait.ge [sflag:s14], $0x1000  }
0x81: {  	[sflag:s14] =	ssyncset.done $0x0  }
0x82: {  	[sflag:s14] =	ssyncadd.s32 $0xFFFFF000  }
0x83: {  	_ =	swait.ge [sflag:s14], $0x1000  }
0x84: {  	p0 =	seq.s32 s8, $0x16800;
	[sflag:s14] =	ssyncset.done $0x0  }
.Ltmp2:
0x85: {  	s13 =	sadd.s32 s8, s6;
	[sflag:s14] =	ssyncadd.s32 $0xFFFFF000;
	(pc) =	sbr.rel @p0 .LBB2_4-.Ltmp2, $4  }
0x86: {  	[hbm4b:s13+s2] =	stream.linear.scatter [tilespmem:s30], [sflag:$0x4], $0xA000, $0x38;
	[tilespmem:$0x1A400] =	vst v63  }
0x87: {  	_ =	swait.ge [sflag:s22], $0xA000  }
0x88: {  	[sflag:s22] =	ssyncset.done $0x0  }
0x89: {  	[sflag:s22] =	ssyncadd.s32 $0xFFFF6000  }
0x8a: {  	s5 =	sshra.s32 s8, $0x2  }
0x8b: {  	s11 =	sadd.s32 $0xA00, s5  }
0x8c: {  	[tilespmem:s10], [sflag:$0x1] =	stream.indirect.gather [hbm4b:s3+s9], $0x20, s11, s9, $0xb8;
	[tilespmem:$0x1A400] =	vst v63  }
0x8d: {  	s13 =	simm.s32 $0x7400;
	s11 =	sadd.s32 $0xA80, s5  }
0x8e: {  	[tilespmem:s13], [sflag:$0x1] =	stream.indirect.gather [hbm4b:s3+s9], $0x20, s11, s9, $0xb8;
	[tilespmem:$0x1A400] =	vst v63  }
0x8f: {  	s11 =	sadd.s32 $0xB00, s5;
	s13 =	simm.s32 $0x8400  }
0x90: {  	[tilespmem:s13], [sflag:$0x1] =	stream.indirect.gather [hbm4b:s3+s9], $0x20, s11, s9, $0xb8;
	[tilespmem:$0x1A400] =	vst v63  }
0x91: {  	s13 =	sadd.s32 $0xB80, s5  }
0x92: {  	[tilespmem:s15], [sflag:$0x1] =	stream.indirect.gather [hbm4b:s3+s9], $0x20, s13, s9, $0xb8;
	[tilespmem:$0x1A400] =	vst v63  }
0x93: {  	s13 =	sadd.s32 $0xC00, s5  }
0x94: {  	[tilespmem:s17], [sflag:$0x1] =	stream.indirect.gather [hbm4b:s3+s9], $0x20, s13, s9, $0xb8;
	[tilespmem:$0x1A400] =	vst v63  }
0x95: {  	s13 =	sadd.s32 $0xC80, s5  }
0x96: {  	[tilespmem:s19], [sflag:$0x1] =	stream.indirect.gather [hbm4b:s3+s9], $0x20, s13, s9, $0xb8;
	[tilespmem:$0x1A400] =	vst v63  }
0x97: {  	s13 =	sadd.s32 $0xD00, s5  }
0x98: {  	[tilespmem:s21], [sflag:$0x1] =	stream.indirect.gather [hbm4b:s3+s9], $0x20, s13, s9, $0xb8;
	[tilespmem:$0x1A400] =	vst v63  }
0x99: {  	s13 =	sadd.s32 $0xD80, s5  }
0x9a: {  	[tilespmem:s23], [sflag:$0x1] =	stream.indirect.gather [hbm4b:s3+s9], $0x20, s13, s9, $0xb8;
	[tilespmem:$0x1A400] =	vst v63  }
0x9b: {  	s13 =	sadd.s32 $0xE00, s5  }
0x9c: {  	[tilespmem:s25], [sflag:$0x1] =	stream.indirect.gather [hbm4b:s3+s9], $0x20, s13, s9, $0xb8;
	[tilespmem:$0x1A400] =	vst v63  }
0x9d: {  	s13 =	sadd.s32 $0xE80, s5  }
0x9e: {  	[tilespmem:s28], [sflag:$0x1] =	stream.indirect.gather [hbm4b:s3+s9], $0x20, s13, s9, $0xb8;
	[tilespmem:$0x1A400] =	vst v63  }
0x9f: {  	_ =	swait.ge [sflag:s4], $0xA000  }
0xa0: {  	[sflag:s4] =	ssyncset.done $0x0  }
0xa1: {  	s13 =	sadd.s32 $0xF00, s5;
	[sflag:s4] =	ssyncadd.s32 $0xFFFF6000  }
0xa2: {  	[tilespmem:s30], [sflag:$0x2] =	stream.indirect.gather [hbm4b:s3+s9], $0x20, s13, s9, $0xb8;
	[tilespmem:$0x1A400] =	vst v63  }
0xa3: {  	s13 =	sadd.s32 $0xF80, s5  }
0xa4: {  	[tilespmem:s1], [sflag:$0x2] =	stream.indirect.gather [hbm4b:s3+s9], $0x20, s13, s9, $0xb8;
	[tilespmem:$0x1A400] =	vst v63  }
0xa5: {  	s13 =	sadd.s32 $0x1000, s5  }
0xa6: {  	[tilespmem:s12], [sflag:$0x2] =	stream.indirect.gather [hbm4b:s3+s9], $0x20, s13, s9, $0xb8;
	[tilespmem:$0x1A400] =	vst v63  }
0xa7: {  	s13 =	sadd.s32 $0x1080, s5  }
0xa8: {  	[tilespmem:s16], [sflag:$0x2] =	stream.indirect.gather [hbm4b:s3+s9], $0x20, s13, s9, $0xb8;
	[tilespmem:$0x1A400] =	vst v63  }
0xa9: {  	s13 =	sadd.s32 $0x1100, s5  }
0xaa: {  	[tilespmem:s20], [sflag:$0x2] =	stream.indirect.gather [hbm4b:s3+s9], $0x20, s13, s9, $0xb8;
	[tilespmem:$0x1A400] =	vst v63  }
0xab: {  	s13 =	sadd.s32 $0x1180, s5  }
0xac: {  	[tilespmem:s24], [sflag:$0x2] =	stream.indirect.gather [hbm4b:s3+s9], $0x20, s13, s9, $0xb8;
	[tilespmem:$0x1A400] =	vst v63  }
0xad: {  	s13 =	sadd.s32 $0x1200, s5  }
0xae: {  	[tilespmem:s29], [sflag:$0x2] =	stream.indirect.gather [hbm4b:s3+s9], $0x20, s13, s9, $0xb8;
	[tilespmem:$0x1A400] =	vst v63  }
0xaf: {  	s13 =	sadd.s32 $0x1280, s5  }
0xb0: {  	[tilespmem:s0], [sflag:$0x2] =	stream.indirect.gather [hbm4b:s3+s9], $0x20, s13, s9, $0xb8;
	[tilespmem:$0x1A400] =	vst v63  }
.Ltmp3:
0xb1: {  	_ = 	snop;
	(pc) =	sbr.rel .LBB2_2-.Ltmp3, $4  }
0xb2: {  	s13 =	sadd.s32 $0x1300, s5  }
0xb3: {  	[tilespmem:s18], [sflag:$0x2] =	stream.indirect.gather [hbm4b:s3+s9], $0x20, s13, s9, $0xb8;
	[tilespmem:$0x1A400] =	vst v63  }
0xb4: {  	s8 =	sadd.s32 $0x2800, s8;
	s5 =	sadd.s32 $0x1380, s5  }
0xb5: {  	[tilespmem:s26], [sflag:$0x2] =	stream.indirect.gather [hbm4b:s3+s9], $0x20, s5, s9, $0xb8;
	[tilespmem:$0x1A400] =	vst v63  }
.LBB2_5:
0xb6: {  	_ =	sfence.sel $0x180000  }
0xb7: {  	[bflag:$0x0] =	sbarrier.arrive $0xFFFF  }
0xb8: {  	_ =	strace $0x90000047  }
0xb9: {  	s0 =	stileid.u32;
	[bflag:$0x2] =	sbarrier.arrive $0xFFFF  }
0xba: {  	p0 =	sne.s32 s0, $0x0;
	s0 =	rddreg [dreg:$0x2]  }
0xbb: {  	s0 =	sadd.s32 @!p0 $0x100000, s0  }
0xbc: {  	[sflag:s0] =	ssyncadd.tile.s32 @!p0 $0x1;
	_ =	shalt  }
.Lfunc_end2:
_tile_overlayer_lowered:
.L_overlay_start_2:
0xbd: {  	(tag) =	ssettag $0x2  }
0xbe: {  	s0 =	rddreg [dreg:$0x0];
	s2 =	stileid.u32  }
0xbf: {  	s1 =	rddreg [dreg:$0x1];
	p0 =	sne.s32 s2, $0x0  }
0xc0: {  	s3 =	rddreg [dreg:$0x2];
	[bflag:$0x3] =	sbarrier.arrive $0xFFFF;
	s2 =	simm.s32 @!p0 $0x1C05  }
0xc1: {  	[timem:s3], [sflag:s2] =	dma.local @!p0 [hbm:s0], s1  }
0xc2: {  	s0 =	simm.s32 @!p0 $0x5  }
0xc3: {  	_ =	swait.ge @!p0 [sflag:s0], s1  }
0xc4: {  	s1 =	ssub.s32 @!p0 $0x0, s1;
	[sflag:s0] =	ssyncset.done @!p0 $0x0  }
0xc5: {  	[sflag:s0] =	ssyncadd.s32 @!p0 s1  }
0xc6: {  	[bflag:$0x3] =	sbarrier.arrive $0xFFFF  }
0xc7: {  	_ =	shalt  }

// kernel: sparse-core-data-format-call.1.cloned.1.call-start
scs
called_computation.1_lowered:
.L_overlay_start_0:
0x0: {  	s2 =	sld [smem:$0x3FD9]  }
0x1: {  	s3 =	sld [smem:$0x3FFE];
	_ =	sdelay $0x1  }
0x2: {  	s1 =	srdreg.scid  }
0x3: {  	s0 =	sand.u32 $0x1, s1  }
0x4: {  	s18 =	sshll.u32 s0, $0xA;
	s2 =	sadd.s32 s3, s2  }
0x5: {  	s2 =	sadd.s32 s2, s18  }
0x6: {  	[smem:$0x3FC6] =	sst s2  }
0x7: {  	_ = 	snop  }
0x8: {  	s2 =	sld [smem:$0x3FD0];
	(tm) =	ssettm $0x1  }
0x9: {  	s19 =	sld [smem:$0x3FFB];
	_ =	sdelay $0x3  }
0xa: {  	_ =	strace s19  }
0xb: {  	s3 =	sld [smem:$0x3FFC];
	_ =	sdelay $0x3  }
0xc: {  	_ =	strace s3  }
0xd: {  	s3 =	sld [smem:$0x3FFD];
	_ =	sdelay $0x3  }
0xe: {  	_ =	strace s3  }
0xf: {  	_ =	strace $0x8FFFFFFF  }
0x10: {  	s20 =	sld [smem:$0x3FDB];
	_ =	sdelay $0x1  }
0x11: {  	s4 =	simm.s32 $_scs_section_size  }
0x12: {  	s5 =	simm.s32 $_size__tile_overlayer_lowered;
	s6 =	simm.s32 $_tile_overlayer_lowered  }
0x13: {  	s23 =	simm.s32 $0x1BFF;
	s22 =	sshll.u32 s6, $0x1;
	s3 =	sadd.s32 s4, s20  }
0x14: {  	s7 =	simm.s32 $0x0;
	s21 =	sshll.u32 s5, $0x1;
	s5 =	sadd.s32 s22, s3  }
0x15: {  	[timem:s7], [sflag:s23] =	dma.local [hbm:s5], s21  }
0x16: {  	_ =	swait.ge [sflag:s23], s21  }
0x17: {  	s4 =	ssub.s32 $0x0, s21;
	[sflag:s23] =	ssyncset.done $0x0  }
0x18: {  	[sflag:s23] =	ssyncadd.s32 s4;
	_ =	sdelay $0x1  }
0x19: {  	s24 =	simm.s32 $0x1B8B  }
0x1a: {  	_ =	swait.ge [sflag:s24], $0x1  }
0x1b: {  	[sflag:s24] =	ssyncset.done $0x0  }
0x1c: {  	s26 =	simm.s32 $0x1B8E;
	s25 =	sld [smem:$0x3FFE];
	[sflag:s24] =	ssyncadd.s32 $0xFFFFFFFF  }
0x1d: {  	s27 =	simm.s32 $execute0_lowered;
	[smem:$0x3FD2] =	sst s26  }
0x1e: {  	s5 =	sshll.u32 s27, $0x1;
	_ =	strace $0x80000049;
	[dreg:$0x1] =	wrdreg $0xFFFFFFFF  }
0x1f: {  	s28 =	simm.s32 $_size_execute0_lowered;
	s3 =	sadd.s32 s3, s5;
	[dreg:$0x0] =	wrdreg $0x0  }
0x20: {  	s5 =	sshll.u32 s28, $0x1;
	[dreg:$0x2] =	wrdreg s3  }
0x21: {  	[dreg:$0x3] =	wrdreg s5  }
0x22: {  	[dreg:$0x4] =	wrdreg $0xC0  }
0x23: {  	_ =	task [dreg:s7], $0x5FFFF  }
0x24: {  	[dreg:$0x1] =	wrdreg $0xFFFFFFFF  }
0x25: {  	[dreg:$0x0] =	wrdreg $0x60  }
0x26: {  	[dreg:$0x2] =	wrdreg s25  }
0x27: {  	[dreg:$0x3] =	wrdreg s2  }
0x28: {  	[dreg:$0x4] =	wrdreg $0x9  }
0x29: {  	_ =	task.clear_ibuf [dreg:s7], $0x5FFFF;
	_ =	strace $0x90000049  }
0x2a: {  	s29 =	simm.s32 $0x9;
	_ =	strace $0x8000004B  }
0x2b: {  	_ =	swait.ge [sflag:s29], $0x1  }
0x2c: {  	[sflag:s29] =	ssyncadd.s32 $0xFFFFFFFF  }
0x2d: {  	_ =	strace $0x9000004B  }
0x2e: {  	_ =	sfence  }
0x2f: {  	s30 =	sld [smem:$0x0];
	_ =	sdelay $0x2  }
0x30: {  	s31 =	sshll.u32 s1, $0xD;
	s1 =	sshrl.u32 s1, $0x2  }
0x31: {  	s3 =	sand.u32 $0x4000, s31;
	s1 =	sadd.s32 s1, s30  }
0x32: {  	s0 =	sor.u32 s3, s0;
	s1 =	sshll.u32 s1, $0x11  }
0x33: {  	s0 =	sor.u32 s1, s0  }
0x34: {  	s0 =	sadd.s32 $0x8F2B, s0  }
0x35: {  	[sflag:s0] =	ssyncadd.remote.s32 $0x1  }
0x36: {  	_ =	sfence.sel $0xFFFF  }
0x37: {  	[dreg:$0x0] =	wrdreg $0xFFFFFFFF;
	(pc) =	sbr.abs _section_cstart, $3  }
0x38: {  	[dreg:$0x1] =	wrdreg $0xFFFFFFFF  }
0x39: {  	_ =	task.clear_ibuf [dreg:s7], $0x2FFFF;
	_ =	strace $0x9FFFFFFF  }
0x3a: {  	(tm) =	ssettm $0x7FFFFFFF  }
0x3b: {  	_ =	shalt  }
tec
execute0_lowered:
.L_overlay_start_1:
0x0: {  	(tag) =	ssettag $0x1  }
0x1: {  	s0 =	srdreg.scid  }
0x2: {  	s1 =	sshll.u32 s0, $0x4  }
0x3: {  	s4 =	rddreg [dreg:$0x0];
	s0 =	stileid.u32;
	s1 =	sand.u32 $0x10, s1  }
0x4: {  	s2 =	rddreg [dreg:$0x1];
	s7 =	simm.s32 $0x1;
	s1 =	sor.u32 s0, s1  }
0x5: {  	s8 =	simm.s32 $0x2;
	s11 =	simm.s32 $0x0;
	s3 =	sshll.u32 s1, $0x7  }
0x6: {  	s10 =	simm.s32 $0x0;
	s4 =	sadd.s32 $0xE00, s4;
	s6 =	ssub.s32 $0xC8000, s3  }
.Ltmp0:
0x7: {  	s1 =	rddreg [dreg:$0x2];
	s5 =	sand.u32 $0xF80, s6;
	(pc) =	sbr.rel .LBB1_1-.Ltmp0, $4  }
0x8: {  	_ =	strace $0x8000004A;
	s9 =	smov.u32 s3;
	p0 =	sne.s32 s5, $0x0  }
0x9: {  	s6 =	sshrl.u32 s6, $0xC;
	s5 =	simm.s32 $0x1;
	s7 =	simm.s32 @!p0 $0x0  }
0xa: {  	[sflag:s5] =	ssyncpa.u1 $0x0;
	p0 =	por $0x0, $0x0;
	s6 =	sadd.s32 s7, s6  }
0xb: {  	[sflag:s8] =	ssyncpa.u1 $0x0;
	s8 =	simm.s32 $0x640000;
	s7 =	sadd.s32 $0x1, s6  }
.LBB1_4:
0xc: {  	s14 =	sshll.u32 s11, $0x3  }
0xd: {  	s30 =	sand.u32 $0x7F, s11;
	s15 =	sand.u32 $0xFFFFFC00, s14  }
0xe: {  	s11 =	sor.u32 s30, s15  }
0xf: {  	s15 =	smulhi.u32 $0x51EB851F, s11  }
0x10: {  	s14 =	smulhi.u32 $0x51EB851F, s14  }
0x11: {  	s15 =	sshrl.u32 s15, $0x12  }
0x12: {  	s14 =	sshrl.u32 s14, $0x12;
	s15 =	smul.u32 $0xC8000, s15  }
0x13: {  	s14 =	sand.u32 $0x1F, s14  }
0x14: {  	s14 =	smul.u32 $0x19000, s14;
	s11 =	ssub.s32 s11, s15  }
0x15: {  	s15 =	sand.u32 $0x7, s11  }
0x16: {  	s14 =	sadd.s32 s2, s14;
	s11 =	sshrl.u32 s11, $0x3;
	s15 =	sshll.u32 s15, $0x12  }
0x17: {  	[tilespmem:s13+$0x0 ss:$0x81] =	vst.msk $0xffff, v0;
	s11 =	sadd.s32 s11, s14;
	s31 =	sor.u32 $0x400, s15  }
0x18: {  	[hbm4b:s11+s31] =	stream.strided.scatter [tilespmem:s12], [sflag:$0x2], $0x1000, s8, s31, $0x20;
	[tilespmem:$0x4040] =	vst v63  }
.LBB1_5:
0x19: {  	s13 =	sadd.s32 $0x1000, s9  }
0x1a: {  	p2 =	sgt.s32 s13, $0xC7FFF  }
0x1b: {  	s13 =	smov.u32 @p2 s3;
	p2 =	sne.s32 s10, s7  }
.Ltmp1:
0x1c: {  	p1 =	slt.u32 s10, $0x2;
	(pc) =	sbr.rel @!p2 .LBB1_6-.Ltmp1, $4  }
0x1d: {  	s12 =	simm.s32 @!p1 $0x2  }
0x1e: {  	s14 =	sadd.s32 $0x1, s10;
	_ =	swait.ge @!p1 [sflag:s12], $0x1000  }
0x1f: {  	s11 =	smov.u32 s9;
	p0 =	por !p0, !p0;
	[sflag:s12] =	ssyncset.done @!p1 $0x0  }
0x20: {  	s10 =	smov.u32 s14;
	s9 =	smov.u32 s13;
	[sflag:s12] =	ssyncadd.s32 @!p1 $0xFFFFF000  }
.LBB1_1:
0x21: {  	p1 =	sge.u32 s10, s6  }
0x22: {  	s12 =	sand.u32 @!p1 $0x1FFFFFF, s9  }
0x23: {  	s13 =	smulhi.u32 @!p1 $0x147AE15, s12;
	_ =	sdelay $0x1  }
0x24: {  	s13 =	sshrl.u32 @!p1 s13, $0xC  }
0x25: {  	s13 =	smul.u32 @!p1 $0xC8000, s13;
	_ =	sdelay $0x1  }
0x26: {  	s31 =	sadd.s32 $0xFFFFFFFF, s10;
	s14 =	sxor.u32 @!p1 $0xFFFFFFFF, s10;
	s12 =	ssub.s32 @!p1 s12, s13  }
0x27: {  	s15 =	simm.s32 @!p1 $0x80;
	s14 =	sshll.u32 @!p1 s14, $0xC;
	s12 =	sshll.u32 @!p1 s12, $0x4  }
0x28: {  	s13 =	sand.u32 @!p1 $0x1000, s14;
	s14 =	simm.s32 @!p1 $0x20;
	s12 =	sadd.s32 @!p1 s4, s12  }
0x29: {  	[tilespmem:s13], [sflag:$0x1] =	stream.strided.gather @!p1 [hbm4b:s12+s14], $0x1000, s15, s14, $0x38;
	[tilespmem:$0x4040] =	vst v63  }
0x2a: {  	p1 =	sge.u32 s31, s6  }
.Ltmp2:
0x2b: {  	_ = 	snop;
	(pc) =	sbr.rel @p1 .LBB1_5-.Ltmp2, $1  }
0x2c: {  	_ =	sdelay $0x3  }
0x2d: {  	s12 =	simm.s32 $0x1  }
0x2e: {  	_ =	swait.ge [sflag:s5], $0x1000;
	s12 =	simm.s32 @!p0 $0x0  }
0x2f: {  	[sflag:s5] =	ssyncset.done $0x0;
	s13 =	sshll.u32 s12, $0xC  }
0x30: {  	[sflag:s5] =	ssyncadd.s32 $0xFFFFF000;
	s16 =	sor.u32 $0x10, s13  }
0x31: {  	s12 =	smul.u32 $0x4080, s12;
	v1 =	vld [tilespmem:s16+$0x0]  }
0x32: {  	s30 =	sand.u32 $0x1, s10;
	v0 =	vld [tilespmem:s16+$0xFFFFFFF0]  }
0x33: {  	s13 =	smul.u32 $0x4080, s30;
	s12 =	sshrl.u32 s12, $0x2  }
0x34: {  	s14 =	sor.u32 $0x2000, s12  }
0x35: {  	s31 =	sshrl.u32 s13, $0x2;
	s13 =	sadd.s32 $0x0, s14  }
0x36: {  	s15 =	simm.s32 $0x4;
	s16 =	sadd.s32 $0x20, s16;
	s12 =	sor.u32 $0x2000, s31;
	[tilespmem:s13+$0x810 ss:$0x81] =	vst.msk $0xffff, v1  }
.LBB1_3:
0x37: {  	v1 =	vld [tilespmem:s16+$0x0];
	p1 =	sne.s32 s15, $0x1FC;
	[tilespmem:s13+$0x0 ss:$0x81] =	vst.msk $0xffff, v0;
	s13 =	smov.u32 s15;
	s15 =	sadd.s32 $0x4, s15  }
.Ltmp3:
0x38: {  	v0 =	vld [tilespmem:s16+$0xFFFFFFF0];
	(pc) =	sbr.rel @p1 .LBB1_3-.Ltmp3, $4  }
0x39: {  	_ = 	snop  }
0x3a: {  	s13 =	sshra.s32 s13, $0x2  }
0x3b: {  	s13 =	sadd.s32 s13, s14  }
0x3c: {  	s16 =	sadd.s32 $0x20, s16;
	[tilespmem:s13+$0x810 ss:$0x81] =	vst.msk $0xffff, v1  }
.Ltmp4:
0x3d: {  	_ = 	snop;
	(pc) =	sbr.rel .LBB1_4-.Ltmp4, $1  }
0x3e: {  	_ =	sdelay $0x3  }
.LBB1_6:
0x3f: {  	_ =	sfence.sel $0x180000  }
0x40: {  	s2 =	simm.s32 $0x1;
	[bflag:$0x0] =	sbarrier.arrive $0xFFFF  }
0x41: {  	s31 =	simm.s32 $0x2;
	[sflag:s2] =	ssyncpa.u1 $0x1  }
0x42: {  	[sflag:s31] =	ssyncpa.u1 $0x1  }
0x43: {  	p0 =	sne.s32 s0, $0x0;
	_ =	strace $0x9000004A  }
0x44: {  	s0 =	sadd.s32 @!p0 $0x100000, s1;
	[bflag:$0x2] =	sbarrier.arrive $0xFFFF  }
0x45: {  	[sflag:s0] =	ssyncadd.tile.s32 @!p0 $0x1;
	_ =	shalt  }
.Lfunc_end1:
_tile_overlayer_lowered:
.L_overlay_start_2:
0x46: {  	(tag) =	ssettag $0x2  }
0x47: {  	s0 =	rddreg [dreg:$0x0];
	s2 =	stileid.u32  }
0x48: {  	s1 =	rddreg [dreg:$0x1];
	p0 =	sne.s32 s2, $0x0  }
0x49: {  	s3 =	rddreg [dreg:$0x2];
	[bflag:$0x3] =	sbarrier.arrive $0xFFFF;
	s2 =	simm.s32 @!p0 $0x1C01  }
0x4a: {  	[timem:s3], [sflag:s2] =	dma.local @!p0 [hbm:s0], s1  }
0x4b: {  	s0 =	simm.s32 @!p0 $0x1  }
0x4c: {  	_ =	swait.ge @!p0 [sflag:s0], s1  }
0x4d: {  	s1 =	ssub.s32 @!p0 $0x0, s1;
	[sflag:s0] =	ssyncset.done @!p0 $0x0  }
0x4e: {  	[sflag:s0] =	ssyncadd.s32 @!p0 s1  }
0x4f: {  	[bflag:$0x3] =	sbarrier.arrive $0xFFFF  }
0x50: {  	_ =	shalt  }

// kernel: sparse-core-data-format-call.cloned.1.call-start
scs
called_computation_lowered:
.L_overlay_start_0:
0x0: {  	s2 =	sld [smem:$0x3FD9]  }
0x1: {  	s3 =	sld [smem:$0x3FFE];
	_ =	sdelay $0x1  }
0x2: {  	s1 =	srdreg.scid  }
0x3: {  	s0 =	sand.u32 $0x1, s1  }
0x4: {  	s18 =	sshll.u32 s0, $0xA;
	s2 =	sadd.s32 s3, s2  }
0x5: {  	s2 =	sadd.s32 s2, s18  }
0x6: {  	[smem:$0x3FC6] =	sst s2  }
0x7: {  	_ = 	snop  }
0x8: {  	s2 =	sld [smem:$0x3FD0];
	(tm) =	ssettm $0x1  }
0x9: {  	s19 =	sld [smem:$0x3FFB];
	_ =	sdelay $0x3  }
0xa: {  	_ =	strace s19  }
0xb: {  	s3 =	sld [smem:$0x3FFC];
	_ =	sdelay $0x3  }
0xc: {  	_ =	strace s3  }
0xd: {  	s3 =	sld [smem:$0x3FFD];
	_ =	sdelay $0x3  }
0xe: {  	_ =	strace s3  }
0xf: {  	_ =	strace $0x8FFFFFFF  }
0x10: {  	s20 =	sld [smem:$0x3FDB];
	_ =	sdelay $0x1  }
0x11: {  	s4 =	simm.s32 $_scs_section_size  }
0x12: {  	s5 =	simm.s32 $_size__tile_overlayer_lowered;
	s6 =	simm.s32 $_tile_overlayer_lowered  }
0x13: {  	s23 =	simm.s32 $0x1BFF;
	s22 =	sshll.u32 s6, $0x1;
	s3 =	sadd.s32 s4, s20  }
0x14: {  	s7 =	simm.s32 $0x0;
	s21 =	sshll.u32 s5, $0x1;
	s5 =	sadd.s32 s22, s3  }
0x15: {  	[timem:s7], [sflag:s23] =	dma.local [hbm:s5], s21  }
0x16: {  	_ =	swait.ge [sflag:s23], s21  }
0x17: {  	s4 =	ssub.s32 $0x0, s21;
	[sflag:s23] =	ssyncset.done $0x0  }
0x18: {  	[sflag:s23] =	ssyncadd.s32 s4;
	_ =	sdelay $0x1  }
0x19: {  	s24 =	simm.s32 $0x1B8B  }
0x1a: {  	_ =	swait.ge [sflag:s24], $0x1  }
0x1b: {  	[sflag:s24] =	ssyncset.done $0x0  }
0x1c: {  	s26 =	simm.s32 $0x1B8E;
	s25 =	sld [smem:$0x3FFE];
	[sflag:s24] =	ssyncadd.s32 $0xFFFFFFFF  }
0x1d: {  	s27 =	simm.s32 $execute0_lowered;
	[smem:$0x3FD2] =	sst s26  }
0x1e: {  	s5 =	sshll.u32 s27, $0x1;
	_ =	strace $0x8000004C;
	[dreg:$0x1] =	wrdreg $0xFFFFFFFF  }
0x1f: {  	s28 =	simm.s32 $_size_execute0_lowered;
	s3 =	sadd.s32 s3, s5;
	[dreg:$0x0] =	wrdreg $0x0  }
0x20: {  	s5 =	sshll.u32 s28, $0x1;
	[dreg:$0x2] =	wrdreg s3  }
0x21: {  	[dreg:$0x3] =	wrdreg s5  }
0x22: {  	[dreg:$0x4] =	wrdreg $0xC0  }
0x23: {  	_ =	task [dreg:s7], $0x5FFFF  }
0x24: {  	[dreg:$0x1] =	wrdreg $0xFFFFFFFF  }
0x25: {  	[dreg:$0x0] =	wrdreg $0x60  }
0x26: {  	[dreg:$0x2] =	wrdreg s25  }
0x27: {  	[dreg:$0x3] =	wrdreg s2  }
0x28: {  	[dreg:$0x4] =	wrdreg $0x9  }
0x29: {  	_ =	task.clear_ibuf [dreg:s7], $0x5FFFF;
	_ =	strace $0x9000004C  }
0x2a: {  	s29 =	simm.s32 $0x9;
	_ =	strace $0x8000004E  }
0x2b: {  	_ =	swait.ge [sflag:s29], $0x1  }
0x2c: {  	[sflag:s29] =	ssyncadd.s32 $0xFFFFFFFF  }
0x2d: {  	_ =	strace $0x9000004E  }
0x2e: {  	_ =	sfence  }
0x2f: {  	s30 =	sld [smem:$0x0];
	_ =	sdelay $0x2  }
0x30: {  	s31 =	sshll.u32 s1, $0xD;
	s1 =	sshrl.u32 s1, $0x2  }
0x31: {  	s3 =	sand.u32 $0x4000, s31;
	s1 =	sadd.s32 s1, s30  }
0x32: {  	s0 =	sor.u32 s3, s0;
	s1 =	sshll.u32 s1, $0x11  }
0x33: {  	s0 =	sor.u32 s1, s0  }
0x34: {  	s0 =	sadd.s32 $0x8F2B, s0  }
0x35: {  	[sflag:s0] =	ssyncadd.remote.s32 $0x1  }
0x36: {  	_ =	sfence.sel $0xFFFF  }
0x37: {  	[dreg:$0x0] =	wrdreg $0xFFFFFFFF;
	(pc) =	sbr.abs _section_cstart, $3  }
0x38: {  	[dreg:$0x1] =	wrdreg $0xFFFFFFFF  }
0x39: {  	_ =	task.clear_ibuf [dreg:s7], $0x2FFFF;
	_ =	strace $0x9FFFFFFF  }
0x3a: {  	(tm) =	ssettm $0x7FFFFFFF  }
0x3b: {  	_ =	shalt  }
tec
execute0_lowered:
.L_overlay_start_1:
0x0: {  	(tag) =	ssettag $0x1  }
0x1: {  	s8 =	rddreg [dreg:$0x0]  }
0x2: {  	s2 =	rddreg [dreg:$0x1];
	s1 =	stileid.u32  }
0x3: {  	s4 =	srdreg.scid;
	s0 =	rddreg [dreg:$0x2];
	_ =	strace $0x8000004D  }
0x4: {  	s9 =	simm.s32 $0x1;
	s31 =	simm.s32 $0x2;
	s16 =	simm.s32 $0x0  }
0x5: {  	s17 =	simm.s32 $0x0;
	s11 =	simm.s32 $0x0;
	s12 =	simm.s32 $0x0  }
0x6: {  	s15 =	simm.s32 $0x0;
	s3 =	sshll.u32 s1, $0x1;
	s4 =	sshll.u32 s4, $0x7  }
0x7: {  	s4 =	sand.u32 $0x80, s4;
	s5 =	ssub.s32 $0x20, s3;
	s14 =	smov.u32 s3  }
0x8: {  	s6 =	sshrl.u32 s5, $0x5;
	s5 =	sand.u32 $0x1E, s5;
	s7 =	ssub.s32 $0x4000, s4  }
0x9: {  	p0 =	sne.s32 s5, $0x0;
	s30 =	sshrl.u32 s7, $0x7;
	s7 =	sshrl.u32 s7, $0x8  }
.Ltmp0:
0xa: {  	s9 =	simm.s32 @!p0 $0x0;
	s10 =	sand.u32 $0x1, s30;
	(pc) =	sbr.rel .LBB1_1-.Ltmp0, $4  }
0xb: {  	s5 =	simm.s32 $0x1;
	s6 =	sadd.s32 s9, s6;
	s7 =	sadd.s32 s7, s10  }
0xc: {  	s13 =	smov.u32 s4;
	[sflag:s5] =	ssyncpa.u1 $0x0;
	s6 =	smul.u32 s6, s7  }
0xd: {  	p0 =	por $0x0, $0x0;
	[sflag:s31] =	ssyncpa.u1 $0x0;
	s10 =	simm.s32 $0x80000  }
0xe: {  	s7 =	sadd.s32 $0xE00, s8;
	s8 =	sadd.s32 $0x40E00, s8;
	s9 =	sadd.s32 $0x1, s6  }
.LBB1_7:
0xf: {  	p1 =	slt.u32 s15, $0x2  }
0x10: {  	s19 =	smov.u32 s17;
	p2 =	sgt.s32 @!p1 s17, $0x1E;
	s18 =	sshra.s32 @!p1 s17, $0x1F  }
0x11: {  	p3 =	sgt.s32 @!p1 s16, $0x3F80;
	s20 =	sshra.s32 @!p1 s16, $0x1F;
	p2 =	por !p2, p1  }
0x12: {  	s17 =	sand.u32 @!p1 s18, s17;
	p3 =	por !p3, p1;
	s18 =	smov.u32 s16  }
0x13: {  	s16 =	sand.u32 @!p1 s20, s16;
	s19 =	simm.s32 @p2 $0x1E;
	s18 =	simm.s32 @p3 $0x3F80  }
0x14: {  	s20 =	smov.u32 s14;
	s17 =	ssub.s32 @!p1 s19, s17;
	s16 =	ssub.s32 @!p1 s18, s16  }
0x15: {  	s18 =	sadd.s32 @!p1 $0xFFFFFFE2, s17;
	s17 =	ssub.s32 @!p1 $0x20, s17;
	s19 =	sadd.s32 @!p1 $0xFFFFC080, s16  }
0x16: {  	p2 =	sgt.s32 @!p1 s18, $0x1;
	s17 =	smul.u32 @!p1 $0x32, s17;
	p3 =	sgt.s32 @!p1 s19, $0x7F  }
0x17: {  	s16 =	ssub.s32 @!p1 $0x4000, s16;
	p2 =	por !p2, p1;
	p3 =	por !p3, p1  }
0x18: {  	s18 =	sadd.s32 $0x100, s13;
	s17 =	simm.s32 @!p2 $0x0;
	s16 =	simm.s32 @!p3 $0x0  }
0x19: {  	p2 =	sgt.s32 s18, $0x3FFF;
	s16 =	smul.u32 @!p1 s16, s17;
	s17 =	sadd.s32 $0x20, s14  }
0x1a: {  	s20 =	smov.u32 @p2 s17  }
0x1b: {  	s18 =	smov.u32 @p2 s4;
	p2 =	sgt.s32 s20, $0x1F  }
0x1c: {  	s20 =	smov.u32 @p2 s3;
	p2 =	sne.s32 s15, s9  }
.Ltmp1:
0x1d: {  	p0 =	por !p0, !p0;
	s19 =	simm.s32 @!p1 $0x2;
	(pc) =	sbr.rel @!p2 .LBB1_8-.Ltmp1, $4  }
0x1e: {  	s17 =	smov.u32 s12;
	s12 =	smov.u32 s14;
	s16 =	sand.u32 @!p1 $0x3FFFFFFE, s16  }
0x1f: {  	_ =	swait.ge @!p1 [sflag:s19], s16;
	s21 =	ssub.s32 @!p1 $0x0, s16;
	s16 =	smov.u32 s11  }
0x20: {  	s15 =	sadd.s32 $0x1, s15;
	s11 =	smov.u32 s13;
	[sflag:s19] =	ssyncset.done @!p1 $0x0  }
0x21: {  	s13 =	smov.u32 s18;
	s14 =	smov.u32 s20;
	[sflag:s19] =	ssyncadd.s32 @!p1 s21  }
.LBB1_1:
0x22: {  	p1 =	sge.u32 s15, s6  }
0x23: {  	s18 =	sxor.u32 @!p1 $0xFFFFFFFF, s15;
	s19 =	sshll.u32 @!p1 s14, $0x12  }
0x24: {  	s20 =	sshll.u32 @!p1 s13, $0x4;
	s22 =	simm.s32 @!p1 $0x40;
	s23 =	simm.s32 @!p1 $0x80  }
0x25: {  	s18 =	sshll.u32 @!p1 s18, $0xE;
	s20 =	sand.u32 @!p1 $0x3FFF0, s20;
	s21 =	sadd.s32 @!p1 s7, s19  }
0x26: {  	s19 =	sadd.s32 @!p1 s19, s8;
	s18 =	sand.u32 @!p1 $0x4000, s18;
	s21 =	sadd.s32 @!p1 s20, s21  }
0x27: {  	[tilespmem:s18], [sflag:$0x1] =	stream.strided.gather @!p1 [hbm4b:s21+s22], $0x2000, s23, s22, $0x38;
	[tilespmem:$0x10100] =	vst v63  }
0x28: {  	s31 =	sadd.s32 $0xFFFFFFFF, s15;
	s19 =	sadd.s32 @!p1 s20, s19;
	s18 =	sor.u32 @!p1 $0x2000, s18  }
0x29: {  	[tilespmem:s18], [sflag:$0x1] =	stream.strided.gather @!p1 [hbm4b:s19+s22], $0x2000, s23, s22, $0x38;
	[tilespmem:$0x10100] =	vst v63  }
0x2a: {  	p1 =	sge.u32 s31, s6  }
.Ltmp2:
0x2b: {  	_ = 	snop;
	(pc) =	sbr.rel @p1 .LBB1_7-.Ltmp2, $1  }
0x2c: {  	_ =	sdelay $0x3  }
0x2d: {  	s18 =	simm.s32 $0x1;
	s20 =	sand.u32 $0x1, s15  }
0x2e: {  	_ =	swait.ge [sflag:s5], $0x4000;
	s18 =	simm.s32 @!p0 $0x0;
	s20 =	smul.u32 $0x10200, s20  }
0x2f: {  	p2 =	por $0x1, $0x1;
	[sflag:s5] =	ssyncset.done $0x0;
	s19 =	smul.u32 $0x10200, s18  }
0x30: {  	s21 =	sshll.u32 s18, $0x10;
	[sflag:s5] =	ssyncadd.s32 $0xFFFFC000;
	s30 =	sshrl.u32 s20, $0x2  }
0x31: {  	s31 =	sshrl.u32 s21, $0x2;
	s21 =	simm.s32 $0x0;
	s19 =	sshrl.u32 s19, $0x2  }
0x32: {  	s18 =	sor.u32 $0x8000, s30;
	s20 =	sadd.s32 $0x20, s31;
	s19 =	sor.u32 $0x8000, s19  }
.LBB1_3:
0x33: {  	s22 =	sshll.u32 s21, $0xD  }
0x34: {  	s22 =	sand.u32 $0x3FFFE000, s22  }
0x35: {  	s24 =	sadd.s32 s22, s20  }
0x36: {  	s31 =	smul.u32 $0x204, s21;
	v3 =	vld [tilespmem:s24+$0x10]  }
0x37: {  	v1 =	vld [tilespmem:s24+$0xFFFFFFF0]  }
0x38: {  	s21 =	sshra.s32 s31, $0x2;
	v0 =	vld [tilespmem:s24+$0x0]  }
0x39: {  	s21 =	sadd.s32 s21, s19;
	v2 =	vld [tilespmem:s24+$0xFFFFFFE0]  }
0x3a: {  	s22 =	sadd.s32 $0x0, s21  }
0x3b: {  	p1 =	por p2, p2;
	s23 =	simm.s32 $0x4;
	s24 =	sadd.s32 $0x40, s24;
	[tilespmem:s22+$0x3060 ss:$0x102] =	vst.msk $0xffff, v3  }
.LBB1_4:
0x3c: {  	v3 =	vld [tilespmem:s24+$0x10];
	p2 =	sne.s32 s23, $0x1FC;
	[tilespmem:s22+$0x1020 ss:$0x102] =	vst.msk $0xffff, v1;
	s25 =	smov.u32 s23;
	s23 =	sadd.s32 $0x4, s23  }
.Ltmp3:
0x3d: {  	v1 =	vld [tilespmem:s24+$0xFFFFFFF0];
	[tilespmem:s22+$0x2040 ss:$0x102] =	vst.msk $0xffff, v0;
	(pc) =	sbr.rel @p2 .LBB1_4-.Ltmp3, $4  }
0x3e: {  	v0 =	vld [tilespmem:s24+$0x0];
	[tilespmem:s22+$0x0 ss:$0x102] =	vst.msk $0xffff, v2  }
0x3f: {  	s22 =	sshra.s32 s25, $0x2;
	v2 =	vld [tilespmem:s24+$0xFFFFFFE0]  }
0x40: {  	s22 =	sadd.s32 s22, s21  }
0x41: {  	s24 =	sadd.s32 $0x40, s24;
	[tilespmem:s22+$0x3060 ss:$0x102] =	vst.msk $0xffff, v3  }
.Ltmp4:
0x42: {  	(pc) =	sbr.rel @p1 .LBB1_3-.Ltmp4, $4  }
0x43: {  	_ = 	snop  }
0x44: {  	[tilespmem:s22+$0x1020 ss:$0x102] =	vst.msk $0xffff, v1  }
0x45: {  	[tilespmem:s22+$0x2040 ss:$0x102] =	vst.msk $0xffff, v0  }
0x46: {  	s21 =	simm.s32 $0x1;
	p2 =	por $0x0, $0x0;
	[tilespmem:s22+$0x0 ss:$0x102] =	vst.msk $0xffff, v2  }
0x47: {  	s19 =	sand.u32 $0x78, s11;
	p1 =	sgt.s32 s12, $0x1E;
	s20 =	smov.u32 s12  }
0x48: {  	s21 =	sshra.s32 s12, $0x1F;
	s22 =	sshll.u32 s12, $0xE;
	s23 =	sshll.u32 s11, $0x3  }
0x49: {  	s30 =	sshra.s32 s11, $0x1F;
	s25 =	sshll.u32 s12, $0x7;
	s20 =	simm.s32 @!p1 $0x1E  }
0x4a: {  	s21 =	sand.u32 s21, s12;
	s22 =	sand.u32 $0x60000, s22;
	p1 =	sgt.s32 s11, $0x3F80  }
0x4b: {  	s25 =	sand.u32 $0x380, s25;
	s20 =	ssub.s32 s20, s21;
	s21 =	smov.u32 s11  }
0x4c: {  	s22 =	sadd.s32 s22, s23;
	s24 =	sadd.s32 $0xFFFFFFE2, s20;
	s21 =	simm.s32 @!p1 $0x3F80  }
0x4d: {  	s20 =	ssub.s32 $0x20, s20;
	p1 =	sgt.s32 s24, $0x1;
	s24 =	sand.u32 s30, s11  }
0x4e: {  	s23 =	sand.u32 $0x3C00, s23;
	s20 =	smul.u32 $0x32, s20;
	s21 =	ssub.s32 s21, s24  }
0x4f: {  	s19 =	sor.u32 s25, s19;
	s22 =	sand.u32 $0x7C000, s22;
	s24 =	sadd.s32 $0xFFFFC080, s21  }
0x50: {  	s20 =	simm.s32 @p1 $0x0;
	s21 =	ssub.s32 $0x4000, s21;
	p1 =	sgt.s32 s24, $0x7F  }
.Ltmp5:
0x51: {  	s19 =	sor.u32 s23, s19;
	s21 =	simm.s32 @p1 $0x0;
	(pc) =	sbr.rel .LBB1_7-.Ltmp5, $4  }
0x52: {  	s31 =	sand.u32 $0x7, s11;
	s19 =	sor.u32 s22, s19;
	s20 =	smul.u32 s21, s20  }
0x53: {  	s19 =	sshrl.u32 s19, $0x3;
	s21 =	sshll.u32 s31, $0x12  }
0x54: {  	s19 =	sadd.s32 s2, s19;
	s21 =	sor.u32 $0x100, s21;
	s20 =	sand.u32 $0x3FFFFFFE, s20  }
0x55: {  	[hbm4b:s19+s21] =	stream.strided.scatter [tilespmem:s18], [sflag:$0x2], s20, s10, s21, $0x20;
	[tilespmem:$0x10100] =	vst v63  }
.LBB1_8:
0x56: {  	_ =	sfence.sel $0x180000  }
0x57: {  	s2 =	simm.s32 $0x1;
	[bflag:$0x0] =	sbarrier.arrive $0xFFFF  }
0x58: {  	s31 =	simm.s32 $0x2;
	[sflag:s2] =	ssyncpa.u1 $0x1  }
0x59: {  	[sflag:s31] =	ssyncpa.u1 $0x1  }
0x5a: {  	p0 =	sne.s32 s1, $0x0;
	_ =	strace $0x9000004D  }
0x5b: {  	s0 =	sadd.s32 @!p0 $0x100000, s0;
	[bflag:$0x2] =	sbarrier.arrive $0xFFFF  }
0x5c: {  	[sflag:s0] =	ssyncadd.tile.s32 @!p0 $0x1;
	_ =	shalt  }
.Lfunc_end1:
_tile_overlayer_lowered:
.L_overlay_start_2:
0x5d: {  	(tag) =	ssettag $0x2  }
0x5e: {  	s0 =	rddreg [dreg:$0x0];
	s2 =	stileid.u32  }
0x5f: {  	s1 =	rddreg [dreg:$0x1];
	p0 =	sne.s32 s2, $0x0  }
0x60: {  	s3 =	rddreg [dreg:$0x2];
	[bflag:$0x3] =	sbarrier.arrive $0xFFFF;
	s2 =	simm.s32 @!p0 $0x1C01  }
0x61: {  	[timem:s3], [sflag:s2] =	dma.local @!p0 [hbm:s0], s1  }
0x62: {  	s0 =	simm.s32 @!p0 $0x1  }
0x63: {  	_ =	swait.ge @!p0 [sflag:s0], s1  }
0x64: {  	s1 =	ssub.s32 @!p0 $0x0, s1;
	[sflag:s0] =	ssyncset.done @!p0 $0x0  }
0x65: {  	[sflag:s0] =	ssyncadd.s32 @!p0 s1  }
0x66: {  	[bflag:$0x3] =	sbarrier.arrive $0xFFFF  }
0x67: {  	_ =	shalt  }

</sc_bundles>
